<compile_context>
chip_gen: v7x
topology: tpu7x:2x2x1
jax: 0.10.2.dev20260603
libtpu: 0.0.44.dev20260713+nightly
codegen_flags: <defaults>
</compile_context>

<pallas_src>
import functools

import jax
import jax.numpy as jnp
from jax import lax
from jax.experimental import pallas as pl
from jax.experimental.pallas import tpu as pltpu
from jax.experimental.pallas import tpu_sc as plsc


def _skeleton_neighbors():
    joint_n = 22
    links = [(1, 2), (2, 3), (3, 4), (5, 6), (6, 7), (7, 8), (1, 9), (5, 9),
             (9, 10), (10, 11), (11, 12), (10, 13), (13, 14), (14, 15),
             (15, 16), (15, 17), (10, 18), (18, 19), (19, 20), (20, 21),
             (20, 22)]
    nbr = {r: [r] for r in range(joint_n)}
    for i, j in links:
        nbr[i - 1].append(j - 1)
    return nbr


_NBR = _skeleton_neighbors()
_NJ = 22
_NJ_PAD = 24
_T = 50
_CHUNKS = (0, 16, 32, 34)
_LANES = 16


def _sc_body(x_hbm, out_hbm, x_v, o_v):
    cid = lax.axis_index("c")
    sid = lax.axis_index("s")

    @pl.when((cid == 0) & (sid == 0))
    def _():
        pltpu.sync_copy(x_hbm, x_v)
        zero = jnp.zeros((_LANES,), jnp.float32)
        for off in _CHUNKS:
            for r in range(_NJ):
                cs = _NBR[r]
                acc = x_v[cs[0], pl.ds(off, _LANES)]
                for c in cs[1:]:
                    acc = acc + x_v[c, pl.ds(off, _LANES)]
                o_v[r, pl.ds(off, _LANES)] = acc
            for r in range(_NJ, _NJ_PAD):
                o_v[r, pl.ds(off, _LANES)] = zero
        pltpu.sync_copy(o_v, out_hbm)


@functools.lru_cache(maxsize=1)
def _sc_call():
    return pl.kernel(
        _sc_body,
        mesh=plsc.VectorSubcoreMesh(core_axis_name="c", subcore_axis_name="s"),
        out_type=jax.ShapeDtypeStruct((_NJ_PAD, _T), jnp.float32),
        scratch_types=[
            pltpu.VMEM((_NJ_PAD, _T), jnp.float32),
            pltpu.VMEM((_NJ_PAD, _T), jnp.float32),
        ],
    )


_BB = 4
_ZERO_STEPS = 8


def _tc_body(res_ref, o_ref, *, grid):
    i = pl.program_id(0)

    @pl.when(i < _ZERO_STEPS)
    def _():
        o_ref[...] = jnp.zeros_like(o_ref)

    @pl.when(i == grid - 1)
    def _():
        o_ref[pl.ds(0, 1), pl.ds(0, _NJ_PAD), :] = res_ref[...]


def kernel(x, adj_j):
    del adj_j
    b, v, t = x.shape
    xs = x.reshape(b * v, t)[:_NJ_PAD]
    res = _sc_call()(xs)
    res3 = res.reshape(1, _NJ_PAD, t)

    grid = b // _BB
    out = pl.pallas_call(
        functools.partial(_tc_body, grid=grid),
        grid=(grid,),
        in_specs=[pl.BlockSpec((1, _NJ_PAD, t), lambda i: (0, 0, 0))],
        out_specs=pl.BlockSpec((_BB, v, t), lambda i, g=grid: (g - 1 - i, 0, 0)),
        out_shape=jax.ShapeDtypeStruct((b, v, t), x.dtype),
    )(res3)
    return out

# --- scband reference (transcript-rebuilt; emitter-appended) ---
"""Pipeline reference for scband-skeletal-convolution-80307298501385 (READ-ONLY COPY).

The authoritative reference and input builder live on the scoring server;
editing this copy changes nothing except your own understanding.
"""

import jax, jax.numpy as jnp
import numpy as np


def _bone_edges():
    joint_n = 22
    self_link = [(i, i) for i in range(joint_n)]
    joint_link_ = [(1, 2), (2, 3), (3, 4), (5, 6), (6, 7), (7, 8), (1, 9), (5, 9), (9, 10), (10, 11), (11, 12), (10, 13), (13, 14), (14, 15), (15, 16), (15, 17), (10, 18), (18, 19), (19, 20), (20, 21), (20, 22)]
    joint_link = [(i - 1, j - 1) for i, j in joint_link_]
    bone = self_link + joint_link
    idx = np.array(bone, dtype=np.int64).T  # [2, 43]; A[idx[0,k], idx[1,k]] = 1
    return idx


def setup_inputs(seed: int = 0) -> dict:
    key = jax.random.key(seed)
    k1, k2 = jax.random.split(key)
    # b * v must equal N = 256*50*22*3 = 844800 for the hardcoded sparse mask.
    x = jax.random.normal(k1, (256, 3300, 50), dtype=jnp.float32)
    adj_j = jnp.eye(22, dtype=jnp.float32)  # learned parameter (unused in sparse branch)
    return {"x": x, "adj_j": adj_j}


def reference(x, adj_j):
    N = 256 * 50 * 22 * 3  # 844800
    idx = _bone_edges()
    rows = jnp.asarray(idx[0])
    cols = jnp.asarray(idx[1])
    b, v, t = x.shape
    x1 = x.reshape(b, v // 3, 3, t)
    # sparse branch: torch.sparse.mm(skl_mask, x1_flat.reshape(-1, t))
    x1_flat = x1.reshape(b, -1, t).reshape(-1, t)  # [N, t]
    gathered = jnp.take(x1_flat, cols, axis=0)  # [43, t]
    out_flat = jnp.zeros((N, t), dtype=x.dtype).at[rows].add(gathered)
    out = out_flat.reshape(b, -1, t).reshape(b, v // 3, 3, t).reshape(b, v, t)
    return out

if __name__ == "__main__":
    import jax
    _d = setup_inputs()
    print(jax.jit(kernel)(*tuple(_d.values())))

</pallas_src>

<mosaic_0001>
#map = affine_map<(d0, d1) -> (0, 0)>
module attributes {stable_mosaic.version = 14 : i64} {
  func.func @_sc_body(%arg0: i32, %arg1: i32, %arg2: memref<24x50xf32, #tpu.memory_space<hbm>>, %arg3: memref<24x50xf32, #tpu.memory_space<hbm>>, %arg4: memref<24x50xf32, #tpu.memory_space<vmem>>, %arg5: memref<24x50xf32, #tpu.memory_space<vmem>>) attributes {dimension_semantics = [#tpu.dimension_semantics<core_parallel>, #tpu.dimension_semantics<subcore_parallel>], iteration_bounds = array<i64: 2, 16>, scalar_prefetch = 0 : i64, scratch_operands = 2 : i64, tpu.core_type = #tpu.core_type<sc_vector_subcore>, window_params = [{transform_indices = #map}, {transform_indices = #map}]} {
    %eq3A = arith.constant 0 : i32
    %eq3A_0 = arith.cmpi eq, %arg0, %eq3A : i32
    %eq3A_1 = arith.constant 0 : i32
    %eq3A_2 = arith.cmpi eq, %arg1, %eq3A_1 : i32
    %and3A = arith.andi %eq3A_0, %eq3A_2 : i1
    %convert_element_type3A = arith.extui %and3A : i1 to i32
    %cond3A = arith.constant 0 : i32
    %cond3A_3 = arith.cmpi ne, %convert_element_type3A, %cond3A : i32
    scf.if %cond3A_3 {
      "tpu.region"() ({
        %run_scoped3A = tpu.sem_alloc : memref<!tpu.dma_semaphore, #tpu.memory_space<semaphore_mem>>
        tpu.enqueue_dma source(%arg2 : memref<24x50xf32, #tpu.memory_space<hbm>>) target(%arg4 : memref<24x50xf32, #tpu.memory_space<vmem>>) target_semaphore(%run_scoped3A : memref<!tpu.dma_semaphore, #tpu.memory_space<semaphore_mem>>)
        tpu.wait_dma2 semaphore(%run_scoped3A : memref<!tpu.dma_semaphore, #tpu.memory_space<semaphore_mem>>) src(%arg2 : memref<24x50xf32, #tpu.memory_space<hbm>>) dst(%arg4 : memref<24x50xf32, #tpu.memory_space<vmem>>)
        tpu.yield
      }) : () -> ()
      %broadcast_in_dim3A = arith.constant 0.000000e+00 : f32
      %broadcast_in_dim3A_4 = vector.broadcast %broadcast_in_dim3A : f32 to vector<16xf32>
      %get3A = arith.constant 0 : i32
      %get3A_5 = arith.index_cast %get3A : i32 to index
      %get3A_6 = arith.constant 0 : index
      %get3A_7 = tpu.vector_load %arg4[%get3A_5, %get3A_6] {strides = array<i32>} : memref<24x50xf32, #tpu.memory_space<vmem>>, vector<1x16xf32>,
      %get3A_8 = vector.shape_cast %get3A_7 : vector<1x16xf32> to vector<16xf32>
      %get3A_9 = arith.constant 1 : i32
      %get3A_10 = arith.index_cast %get3A_9 : i32 to index
      %get3A_11 = arith.constant 0 : index
      %get3A_12 = tpu.vector_load %arg4[%get3A_10, %get3A_11] {strides = array<i32>} : memref<24x50xf32, #tpu.memory_space<vmem>>, vector<1x16xf32>,
      %get3A_13 = vector.shape_cast %get3A_12 : vector<1x16xf32> to vector<16xf32>
      %add3A = arith.addf %get3A_8, %get3A_13 : vector<16xf32>
      %get3A_14 = arith.constant 8 : i32
      %get3A_15 = arith.index_cast %get3A_14 : i32 to index
      %get3A_16 = arith.constant 0 : index
      %get3A_17 = tpu.vector_load %arg4[%get3A_15, %get3A_16] {strides = array<i32>} : memref<24x50xf32, #tpu.memory_space<vmem>>, vector<1x16xf32>,
      %get3A_18 = vector.shape_cast %get3A_17 : vector<1x16xf32> to vector<16xf32>
      %add3A_19 = arith.addf %add3A, %get3A_18 : vector<16xf32>
      %swap3A = arith.constant 0 : i32
      %swap3A_20 = arith.index_cast %swap3A : i32 to index
      %swap3A_21 = arith.constant 0 : index
      %swap3A_22 = tpu.vector_load %arg5[%swap3A_20, %swap3A_21] {strides = array<i32>} : memref<24x50xf32, #tpu.memory_space<vmem>>, vector<1x16xf32>,
      %swap3A_23 = vector.shape_cast %swap3A_22 : vector<1x16xf32> to vector<16xf32>
      %swap3A_24 = vector.shape_cast %add3A_19 : vector<16xf32> to vector<1x16xf32>
      tpu.vector_store %arg5[%swap3A_20, %swap3A_21], %swap3A_24 {strides = array<i32>} : memref<24x50xf32, #tpu.memory_space<vmem>>, vector<1x16xf32>,
      %get3A_25 = arith.constant 1 : i32
      %get3A_26 = arith.index_cast %get3A_25 : i32 to index
      %get3A_27 = arith.constant 0 : index
      %get3A_28 = tpu.vector_load %arg4[%get3A_26, %get3A_27] {strides = array<i32>} : memref<24x50xf32, #tpu.memory_space<vmem>>, vector<1x16xf32>,
      %get3A_29 = vector.shape_cast %get3A_28 : vector<1x16xf32> to vector<16xf32>
      %get3A_30 = arith.constant 2 : i32
      %get3A_31 = arith.index_cast %get3A_30 : i32 to index
      %get3A_32 = arith.constant 0 : index
      %get3A_33 = tpu.vector_load %arg4[%get3A_31, %get3A_32] {strides = array<i32>} : memref<24x50xf32, #tpu.memory_space<vmem>>, vector<1x16xf32>,
      %get3A_34 = vector.shape_cast %get3A_33 : vector<1x16xf32> to vector<16xf32>
      %add3A_35 = arith.addf %get3A_29, %get3A_34 : vector<16xf32>
      %swap3A_36 = arith.constant 1 : i32
      %swap3A_37 = arith.index_cast %swap3A_36 : i32 to index
      %swap3A_38 = arith.constant 0 : index
      %swap3A_39 = tpu.vector_load %arg5[%swap3A_37, %swap3A_38] {strides = array<i32>} : memref<24x50xf32, #tpu.memory_space<vmem>>, vector<1x16xf32>,
      %swap3A_40 = vector.shape_cast %swap3A_39 : vector<1x16xf32> to vector<16xf32>
      %swap3A_41 = vector.shape_cast %add3A_35 : vector<16xf32> to vector<1x16xf32>
      tpu.vector_store %arg5[%swap3A_37, %swap3A_38], %swap3A_41 {strides = array<i32>} : memref<24x50xf32, #tpu.memory_space<vmem>>, vector<1x16xf32>,
      %get3A_42 = arith.constant 2 : i32
      %get3A_43 = arith.index_cast %get3A_42 : i32 to index
      %get3A_44 = arith.constant 0 : index
      %get3A_45 = tpu.vector_load %arg4[%get3A_43, %get3A_44] {strides = array<i32>} : memref<24x50xf32, #tpu.memory_space<vmem>>, vector<1x16xf32>,
      %get3A_46 = vector.shape_cast %get3A_45 : vector<1x16xf32> to vector<16xf32>
      %get3A_47 = arith.constant 3 : i32
      %get3A_48 = arith.index_cast %get3A_47 : i32 to index
      %get3A_49 = arith.constant 0 : index
      %get3A_50 = tpu.vector_load %arg4[%get3A_48, %get3A_49] {strides = array<i32>} : memref<24x50xf32, #tpu.memory_space<vmem>>, vector<1x16xf32>,
      %get3A_51 = vector.shape_cast %get3A_50 : vector<1x16xf32> to vector<16xf32>
      %add3A_52 = arith.addf %get3A_46, %get3A_51 : vector<16xf32>
      %swap3A_53 = arith.constant 2 : i32
      %swap3A_54 = arith.index_cast %swap3A_53 : i32 to index
      %swap3A_55 = arith.constant 0 : index
      %swap3A_56 = tpu.vector_load %arg5[%swap3A_54, %swap3A_55] {strides = array<i32>} : memref<24x50xf32, #tpu.memory_space<vmem>>, vector<1x16xf32>,
      %swap3A_57 = vector.shape_cast %swap3A_56 : vector<1x16xf32> to vector<16xf32>
      %swap3A_58 = vector.shape_cast %add3A_52 : vector<16xf32> to vector<1x16xf32>
      tpu.vector_store %arg5[%swap3A_54, %swap3A_55], %swap3A_58 {strides = array<i32>} : memref<24x50xf32, #tpu.memory_space<vmem>>, vector<1x16xf32>,
      %get3A_59 = arith.constant 3 : i32
      %get3A_60 = arith.index_cast %get3A_59 : i32 to index
      %get3A_61 = arith.constant 0 : index
      %get3A_62 = tpu.vector_load %arg4[%get3A_60, %get3A_61] {strides = array<i32>} : memref<24x50xf32, #tpu.memory_space<vmem>>, vector<1x16xf32>,
      %get3A_63 = vector.shape_cast %get3A_62 : vector<1x16xf32> to vector<16xf32>
      %swap3A_64 = arith.constant 3 : i32
      %swap3A_65 = arith.index_cast %swap3A_64 : i32 to index
      %swap3A_66 = arith.constant 0 : index
      %swap3A_67 = tpu.vector_load %arg5[%swap3A_65, %swap3A_66] {strides = array<i32>} : memref<24x50xf32, #tpu.memory_space<vmem>>, vector<1x16xf32>,
      %swap3A_68 = vector.shape_cast %swap3A_67 : vector<1x16xf32> to vector<16xf32>
      %swap3A_69 = vector.shape_cast %get3A_63 : vector<16xf32> to vector<1x16xf32>
      tpu.vector_store %arg5[%swap3A_65, %swap3A_66], %swap3A_69 {strides = array<i32>} : memref<24x50xf32, #tpu.memory_space<vmem>>, vector<1x16xf32>,
      %get3A_70 = arith.constant 4 : i32
      %get3A_71 = arith.index_cast %get3A_70 : i32 to index
      %get3A_72 = arith.constant 0 : index
      %get3A_73 = tpu.vector_load %arg4[%get3A_71, %get3A_72] {strides = array<i32>} : memref<24x50xf32, #tpu.memory_space<vmem>>, vector<1x16xf32>,
      %get3A_74 = vector.shape_cast %get3A_73 : vector<1x16xf32> to vector<16xf32>
      %get3A_75 = arith.constant 5 : i32
      %get3A_76 = arith.index_cast %get3A_75 : i32 to index
      %get3A_77 = arith.constant 0 : index
      %get3A_78 = tpu.vector_load %arg4[%get3A_76, %get3A_77] {strides = array<i32>} : memref<24x50xf32, #tpu.memory_space<vmem>>, vector<1x16xf32>,
      %get3A_79 = vector.shape_cast %get3A_78 : vector<1x16xf32> to vector<16xf32>
      %add3A_80 = arith.addf %get3A_74, %get3A_79 : vector<16xf32>
      %get3A_81 = arith.constant 8 : i32
      %get3A_82 = arith.index_cast %get3A_81 : i32 to index
      %get3A_83 = arith.constant 0 : index
      %get3A_84 = tpu.vector_load %arg4[%get3A_82, %get3A_83] {strides = array<i32>} : memref<24x50xf32, #tpu.memory_space<vmem>>, vector<1x16xf32>,
      %get3A_85 = vector.shape_cast %get3A_84 : vector<1x16xf32> to vector<16xf32>
      %add3A_86 = arith.addf %add3A_80, %get3A_85 : vector<16xf32>
      %swap3A_87 = arith.constant 4 : i32
      %swap3A_88 = arith.index_cast %swap3A_87 : i32 to index
      %swap3A_89 = arith.constant 0 : index
      %swap3A_90 = tpu.vector_load %arg5[%swap3A_88, %swap3A_89] {strides = array<i32>} : memref<24x50xf32, #tpu.memory_space<vmem>>, vector<1x16xf32>,
      %swap3A_91 = vector.shape_cast %swap3A_90 : vector<1x16xf32> to vector<16xf32>
      %swap3A_92 = vector.shape_cast %add3A_86 : vector<16xf32> to vector<1x16xf32>
      tpu.vector_store %arg5[%swap3A_88, %swap3A_89], %swap3A_92 {strides = array<i32>} : memref<24x50xf32, #tpu.memory_space<vmem>>, vector<1x16xf32>,
      %get3A_93 = arith.constant 5 : i32
      %get3A_94 = arith.index_cast %get3A_93 : i32 to index
      %get3A_95 = arith.constant 0 : index
      %get3A_96 = tpu.vector_load %arg4[%get3A_94, %get3A_95] {strides = array<i32>} : memref<24x50xf32, #tpu.memory_space<vmem>>, vector<1x16xf32>,
      %get3A_97 = vector.shape_cast %get3A_96 : vector<1x16xf32> to vector<16xf32>
      %get3A_98 = arith.constant 6 : i32
      %get3A_99 = arith.index_cast %get3A_98 : i32 to index
      %get3A_100 = arith.constant 0 : index
      %get3A_101 = tpu.vector_load %arg4[%get3A_99, %get3A_100] {strides = array<i32>} : memref<24x50xf32, #tpu.memory_space<vmem>>, vector<1x16xf32>,
      %get3A_102 = vector.shape_cast %get3A_101 : vector<1x16xf32> to vector<16xf32>
      %add3A_103 = arith.addf %get3A_97, %get3A_102 : vector<16xf32>
      %swap3A_104 = arith.constant 5 : i32
      %swap3A_105 = arith.index_cast %swap3A_104 : i32 to index
      %swap3A_106 = arith.constant 0 : index
      %swap3A_107 = tpu.vector_load %arg5[%swap3A_105, %swap3A_106] {strides = array<i32>} : memref<24x50xf32, #tpu.memory_space<vmem>>, vector<1x16xf32>,
      %swap3A_108 = vector.shape_cast %swap3A_107 : vector<1x16xf32> to vector<16xf32>
      %swap3A_109 = vector.shape_cast %add3A_103 : vector<16xf32> to vector<1x16xf32>
      tpu.vector_store %arg5[%swap3A_105, %swap3A_106], %swap3A_109 {strides = array<i32>} : memref<24x50xf32, #tpu.memory_space<vmem>>, vector<1x16xf32>,
      %get3A_110 = arith.constant 6 : i32
      %get3A_111 = arith.index_cast %get3A_110 : i32 to index
      %get3A_112 = arith.constant 0 : index
      %get3A_113 = tpu.vector_load %arg4[%get3A_111, %get3A_112] {strides = array<i32>} : memref<24x50xf32, #tpu.memory_space<vmem>>, vector<1x16xf32>,
      %get3A_114 = vector.shape_cast %get3A_113 : vector<1x16xf32> to vector<16xf32>
      %get3A_115 = arith.constant 7 : i32
      %get3A_116 = arith.index_cast %get3A_115 : i32 to index
      %get3A_117 = arith.constant 0 : index
      %get3A_118 = tpu.vector_load %arg4[%get3A_116, %get3A_117] {strides = array<i32>} : memref<24x50xf32, #tpu.memory_space<vmem>>, vector<1x16xf32>,
      %get3A_119 = vector.shape_cast %get3A_118 : vector<1x16xf32> to vector<16xf32>
      %add3A_120 = arith.addf %get3A_114, %get3A_119 : vector<16xf32>
      %swap3A_121 = arith.constant 6 : i32
      %swap3A_122 = arith.index_cast %swap3A_121 : i32 to index
      %swap3A_123 = arith.constant 0 : index
      %swap3A_124 = tpu.vector_load %arg5[%swap3A_122, %swap3A_123] {strides = array<i32>} : memref<24x50xf32, #tpu.memory_space<vmem>>, vector<1x16xf32>,
      %swap3A_125 = vector.shape_cast %swap3A_124 : vector<1x16xf32> to vector<16xf32>
      %swap3A_126 = vector.shape_cast %add3A_120 : vector<16xf32> to vector<1x16xf32>
      tpu.vector_store %arg5[%swap3A_122, %swap3A_123], %swap3A_126 {strides = array<i32>} : memref<24x50xf32, #tpu.memory_space<vmem>>, vector<1x16xf32>,
      %get3A_127 = arith.constant 7 : i32
      %get3A_128 = arith.index_cast %get3A_127 : i32 to index
      %get3A_129 = arith.constant 0 : index
      %get3A_130 = tpu.vector_load %arg4[%get3A_128, %get3A_129] {strides = array<i32>} : memref<24x50xf32, #tpu.memory_space<vmem>>, vector<1x16xf32>,
      %get3A_131 = vector.shape_cast %get3A_130 : vector<1x16xf32> to vector<16xf32>
      %swap3A_132 = arith.constant 7 : i32
      %swap3A_133 = arith.index_cast %swap3A_132 : i32 to index
      %swap3A_134 = arith.constant 0 : index
      %swap3A_135 = tpu.vector_load %arg5[%swap3A_133, %swap3A_134] {strides = array<i32>} : memref<24x50xf32, #tpu.memory_space<vmem>>, vector<1x16xf32>,
      %swap3A_136 = vector.shape_cast %swap3A_135 : vector<1x16xf32> to vector<16xf32>
      %swap3A_137 = vector.shape_cast %get3A_131 : vector<16xf32> to vector<1x16xf32>
      tpu.vector_store %arg5[%swap3A_133, %swap3A_134], %swap3A_137 {strides = array<i32>} : memref<24x50xf32, #tpu.memory_space<vmem>>, vector<1x16xf32>,
      %get3A_138 = arith.constant 8 : i32
      %get3A_139 = arith.index_cast %get3A_138 : i32 to index
      %get3A_140 = arith.constant 0 : index
      %get3A_141 = tpu.vector_load %arg4[%get3A_139, %get3A_140] {strides = array<i32>} : memref<24x50xf32, #tpu.memory_space<vmem>>, vector<1x16xf32>,
      %get3A_142 = vector.shape_cast %get3A_141 : vector<1x16xf32> to vector<16xf32>
      %get3A_143 = arith.constant 9 : i32
      %get3A_144 = arith.index_cast %get3A_143 : i32 to index
      %get3A_145 = arith.constant 0 : index
      %get3A_146 = tpu.vector_load %arg4[%get3A_144, %get3A_145] {strides = array<i32>} : memref<24x50xf32, #tpu.memory_space<vmem>>, vector<1x16xf32>,
      %get3A_147 = vector.shape_cast %get3A_146 : vector<1x16xf32> to vector<16xf32>
      %add3A_148 = arith.addf %get3A_142, %get3A_147 : vector<16xf32>
      %swap3A_149 = arith.constant 8 : i32
      %swap3A_150 = arith.index_cast %swap3A_149 : i32 to index
      %swap3A_151 = arith.constant 0 : index
      %swap3A_152 = tpu.vector_load %arg5[%swap3A_150, %swap3A_151] {strides = array<i32>} : memref<24x50xf32, #tpu.memory_space<vmem>>, vector<1x16xf32>,
      %swap3A_153 = vector.shape_cast %swap3A_152 : vector<1x16xf32> to vector<16xf32>
      %swap3A_154 = vector.shape_cast %add3A_148 : vector<16xf32> to vector<1x16xf32>
      tpu.vector_store %arg5[%swap3A_150, %swap3A_151], %swap3A_154 {strides = array<i32>} : memref<24x50xf32, #tpu.memory_space<vmem>>, vector<1x16xf32>,
      %get3A_155 = arith.constant 9 : i32
      %get3A_156 = arith.index_cast %get3A_155 : i32 to index
      %get3A_157 = arith.constant 0 : index
      %get3A_158 = tpu.vector_load %arg4[%get3A_156, %get3A_157] {strides = array<i32>} : memref<24x50xf32, #tpu.memory_space<vmem>>, vector<1x16xf32>,
      %get3A_159 = vector.shape_cast %get3A_158 : vector<1x16xf32> to vector<16xf32>
      %get3A_160 = arith.constant 10 : i32
      %get3A_161 = arith.index_cast %get3A_160 : i32 to index
      %get3A_162 = arith.constant 0 : index
      %get3A_163 = tpu.vector_load %arg4[%get3A_161, %get3A_162] {strides = array<i32>} : memref<24x50xf32, #tpu.memory_space<vmem>>, vector<1x16xf32>,
      %get3A_164 = vector.shape_cast %get3A_163 : vector<1x16xf32> to vector<16xf32>
      %add3A_165 = arith.addf %get3A_159, %get3A_164 : vector<16xf32>
      %get3A_166 = arith.constant 12 : i32
      %get3A_167 = arith.index_cast %get3A_166 : i32 to index
      %get3A_168 = arith.constant 0 : index
      %get3A_169 = tpu.vector_load %arg4[%get3A_167, %get3A_168] {strides = array<i32>} : memref<24x50xf32, #tpu.memory_space<vmem>>, vector<1x16xf32>,
      %get3A_170 = vector.shape_cast %get3A_169 : vector<1x16xf32> to vector<16xf32>
      %add3A_171 = arith.addf %add3A_165, %get3A_170 : vector<16xf32>
      %get3A_172 = arith.constant 17 : i32
      %get3A_173 = arith.index_cast %get3A_172 : i32 to index
      %get3A_174 = arith.constant 0 : index
      %get3A_175 = tpu.vector_load %arg4[%get3A_173, %get3A_174] {strides = array<i32>} : memref<24x50xf32, #tpu.memory_space<vmem>>, vector<1x16xf32>,
      %get3A_176 = vector.shape_cast %get3A_175 : vector<1x16xf32> to vector<16xf32>
      %add3A_177 = arith.addf %add3A_171, %get3A_176 : vector<16xf32>
      %swap3A_178 = arith.constant 9 : i32
      %swap3A_179 = arith.index_cast %swap3A_178 : i32 to index
      %swap3A_180 = arith.constant 0 : index
      %swap3A_181 = tpu.vector_load %arg5[%swap3A_179, %swap3A_180] {strides = array<i32>} : memref<24x50xf32, #tpu.memory_space<vmem>>, vector<1x16xf32>,
      %swap3A_182 = vector.shape_cast %swap3A_181 : vector<1x16xf32> to vector<16xf32>
      %swap3A_183 = vector.shape_cast %add3A_177 : vector<16xf32> to vector<1x16xf32>
      tpu.vector_store %arg5[%swap3A_179, %swap3A_180], %swap3A_183 {strides = array<i32>} : memref<24x50xf32, #tpu.memory_space<vmem>>, vector<1x16xf32>,
      %get3A_184 = arith.constant 10 : i32
      %get3A_185 = arith.index_cast %get3A_184 : i32 to index
      %get3A_186 = arith.constant 0 : index
      %get3A_187 = tpu.vector_load %arg4[%get3A_185, %get3A_186] {strides = array<i32>} : memref<24x50xf32, #tpu.memory_space<vmem>>, vector<1x16xf32>,
      %get3A_188 = vector.shape_cast %get3A_187 : vector<1x16xf32> to vector<16xf32>
      %get3A_189 = arith.constant 11 : i32
      %get3A_190 = arith.index_cast %get3A_189 : i32 to index
      %get3A_191 = arith.constant 0 : index
      %get3A_192 = tpu.vector_load %arg4[%get3A_190, %get3A_191] {strides = array<i32>} : memref<24x50xf32, #tpu.memory_space<vmem>>, vector<1x16xf32>,
      %get3A_193 = vector.shape_cast %get3A_192 : vector<1x16xf32> to vector<16xf32>
      %add3A_194 = arith.addf %get3A_188, %get3A_193 : vector<16xf32>
      %swap3A_195 = arith.constant 10 : i32
      %swap3A_196 = arith.index_cast %swap3A_195 : i32 to index
      %swap3A_197 = arith.constant 0 : index
      %swap3A_198 = tpu.vector_load %arg5[%swap3A_196, %swap3A_197] {strides = array<i32>} : memref<24x50xf32, #tpu.memory_space<vmem>>, vector<1x16xf32>,
      %swap3A_199 = vector.shape_cast %swap3A_198 : vector<1x16xf32> to vector<16xf32>
      %swap3A_200 = vector.shape_cast %add3A_194 : vector<16xf32> to vector<1x16xf32>
      tpu.vector_store %arg5[%swap3A_196, %swap3A_197], %swap3A_200 {strides = array<i32>} : memref<24x50xf32, #tpu.memory_space<vmem>>, vector<1x16xf32>,
      %get3A_201 = arith.constant 11 : i32
      %get3A_202 = arith.index_cast %get3A_201 : i32 to index
      %get3A_203 = arith.constant 0 : index
      %get3A_204 = tpu.vector_load %arg4[%get3A_202, %get3A_203] {strides = array<i32>} : memref<24x50xf32, #tpu.memory_space<vmem>>, vector<1x16xf32>,
      %get3A_205 = vector.shape_cast %get3A_204 : vector<1x16xf32> to vector<16xf32>
      %swap3A_206 = arith.constant 11 : i32
      %swap3A_207 = arith.index_cast %swap3A_206 : i32 to index
      %swap3A_208 = arith.constant 0 : index
      %swap3A_209 = tpu.vector_load %arg5[%swap3A_207, %swap3A_208] {strides = array<i32>} : memref<24x50xf32, #tpu.memory_space<vmem>>, vector<1x16xf32>,
      %swap3A_210 = vector.shape_cast %swap3A_209 : vector<1x16xf32> to vector<16xf32>
      %swap3A_211 = vector.shape_cast %get3A_205 : vector<16xf32> to vector<1x16xf32>
      tpu.vector_store %arg5[%swap3A_207, %swap3A_208], %swap3A_211 {strides = array<i32>} : memref<24x50xf32, #tpu.memory_space<vmem>>, vector<1x16xf32>,
      %get3A_212 = arith.constant 12 : i32
      %get3A_213 = arith.index_cast %get3A_212 : i32 to index
      %get3A_214 = arith.constant 0 : index
      %get3A_215 = tpu.vector_load %arg4[%get3A_213, %get3A_214] {strides = array<i32>} : memref<24x50xf32, #tpu.memory_space<vmem>>, vector<1x16xf32>,
      %get3A_216 = vector.shape_cast %get3A_215 : vector<1x16xf32> to vector<16xf32>
      %get3A_217 = arith.constant 13 : i32
      %get3A_218 = arith.index_cast %get3A_217 : i32 to index
      %get3A_219 = arith.constant 0 : index
      %get3A_220 = tpu.vector_load %arg4[%get3A_218, %get3A_219] {strides = array<i32>} : memref<24x50xf32, #tpu.memory_space<vmem>>, vector<1x16xf32>,
      %get3A_221 = vector.shape_cast %get3A_220 : vector<1x16xf32> to vector<16xf32>
      %add3A_222 = arith.addf %get3A_216, %get3A_221 : vector<16xf32>
      %swap3A_223 = arith.constant 12 : i32
      %swap3A_224 = arith.index_cast %swap3A_223 : i32 to index
      %swap3A_225 = arith.constant 0 : index
      %swap3A_226 = tpu.vector_load %arg5[%swap3A_224, %swap3A_225] {strides = array<i32>} : memref<24x50xf32, #tpu.memory_space<vmem>>, vector<1x16xf32>,
      %swap3A_227 = vector.shape_cast %swap3A_226 : vector<1x16xf32> to vector<16xf32>
      %swap3A_228 = vector.shape_cast %add3A_222 : vector<16xf32> to vector<1x16xf32>
      tpu.vector_store %arg5[%swap3A_224, %swap3A_225], %swap3A_228 {strides = array<i32>} : memref<24x50xf32, #tpu.memory_space<vmem>>, vector<1x16xf32>,
      %get3A_229 = arith.constant 13 : i32
      %get3A_230 = arith.index_cast %get3A_229 : i32 to index
      %get3A_231 = arith.constant 0 : index
      %get3A_232 = tpu.vector_load %arg4[%get3A_230, %get3A_231] {strides = array<i32>} : memref<24x50xf32, #tpu.memory_space<vmem>>, vector<1x16xf32>,
      %get3A_233 = vector.shape_cast %get3A_232 : vector<1x16xf32> to vector<16xf32>
      %get3A_234 = arith.constant 14 : i32
      %get3A_235 = arith.index_cast %get3A_234 : i32 to index
      %get3A_236 = arith.constant 0 : index
      %get3A_237 = tpu.vector_load %arg4[%get3A_235, %get3A_236] {strides = array<i32>} : memref<24x50xf32, #tpu.memory_space<vmem>>, vector<1x16xf32>,
      %get3A_238 = vector.shape_cast %get3A_237 : vector<1x16xf32> to vector<16xf32>
      %add3A_239 = arith.addf %get3A_233, %get3A_238 : vector<16xf32>
      %swap3A_240 = arith.constant 13 : i32
      %swap3A_241 = arith.index_cast %swap3A_240 : i32 to index
      %swap3A_242 = arith.constant 0 : index
      %swap3A_243 = tpu.vector_load %arg5[%swap3A_241, %swap3A_242] {strides = array<i32>} : memref<24x50xf32, #tpu.memory_space<vmem>>, vector<1x16xf32>,
      %swap3A_244 = vector.shape_cast %swap3A_243 : vector<1x16xf32> to vector<16xf32>
      %swap3A_245 = vector.shape_cast %add3A_239 : vector<16xf32> to vector<1x16xf32>
      tpu.vector_store %arg5[%swap3A_241, %swap3A_242], %swap3A_245 {strides = array<i32>} : memref<24x50xf32, #tpu.memory_space<vmem>>, vector<1x16xf32>,
      %get3A_246 = arith.constant 14 : i32
      %get3A_247 = arith.index_cast %get3A_246 : i32 to index
      %get3A_248 = arith.constant 0 : index
      %get3A_249 = tpu.vector_load %arg4[%get3A_247, %get3A_248] {strides = array<i32>} : memref<24x50xf32, #tpu.memory_space<vmem>>, vector<1x16xf32>,
      %get3A_250 = vector.shape_cast %get3A_249 : vector<1x16xf32> to vector<16xf32>
      %get3A_251 = arith.constant 15 : i32
      %get3A_252 = arith.index_cast %get3A_251 : i32 to index
      %get3A_253 = arith.constant 0 : index
      %get3A_254 = tpu.vector_load %arg4[%get3A_252, %get3A_253] {strides = array<i32>} : memref<24x50xf32, #tpu.memory_space<vmem>>, vector<1x16xf32>,
      %get3A_255 = vector.shape_cast %get3A_254 : vector<1x16xf32> to vector<16xf32>
      %add3A_256 = arith.addf %get3A_250, %get3A_255 : vector<16xf32>
      %get3A_257 = arith.constant 16 : i32
      %get3A_258 = arith.index_cast %get3A_257 : i32 to index
      %get3A_259 = arith.constant 0 : index
      %get3A_260 = tpu.vector_load %arg4[%get3A_258, %get3A_259] {strides = array<i32>} : memref<24x50xf32, #tpu.memory_space<vmem>>, vector<1x16xf32>,
      %get3A_261 = vector.shape_cast %get3A_260 : vector<1x16xf32> to vector<16xf32>
      %add3A_262 = arith.addf %add3A_256, %get3A_261 : vector<16xf32>
      %swap3A_263 = arith.constant 14 : i32
      %swap3A_264 = arith.index_cast %swap3A_263 : i32 to index
      %swap3A_265 = arith.constant 0 : index
      %swap3A_266 = tpu.vector_load %arg5[%swap3A_264, %swap3A_265] {strides = array<i32>} : memref<24x50xf32, #tpu.memory_space<vmem>>, vector<1x16xf32>,
      %swap3A_267 = vector.shape_cast %swap3A_266 : vector<1x16xf32> to vector<16xf32>
      %swap3A_268 = vector.shape_cast %add3A_262 : vector<16xf32> to vector<1x16xf32>
      tpu.vector_store %arg5[%swap3A_264, %swap3A_265], %swap3A_268 {strides = array<i32>} : memref<24x50xf32, #tpu.memory_space<vmem>>, vector<1x16xf32>,
      %get3A_269 = arith.constant 15 : i32
      %get3A_270 = arith.index_cast %get3A_269 : i32 to index
      %get3A_271 = arith.constant 0 : index
      %get3A_272 = tpu.vector_load %arg4[%get3A_270, %get3A_271] {strides = array<i32>} : memref<24x50xf32, #tpu.memory_space<vmem>>, vector<1x16xf32>,
      %get3A_273 = vector.shape_cast %get3A_272 : vector<1x16xf32> to vector<16xf32>
      %swap3A_274 = arith.constant 15 : i32
      %swap3A_275 = arith.index_cast %swap3A_274 : i32 to index
      %swap3A_276 = arith.constant 0 : index
      %swap3A_277 = tpu.vector_load %arg5[%swap3A_275, %swap3A_276] {strides = array<i32>} : memref<24x50xf32, #tpu.memory_space<vmem>>, vector<1x16xf32>,
      %swap3A_278 = vector.shape_cast %swap3A_277 : vector<1x16xf32> to vector<16xf32>
      %swap3A_279 = vector.shape_cast %get3A_273 : vector<16xf32> to vector<1x16xf32>
      tpu.vector_store %arg5[%swap3A_275, %swap3A_276], %swap3A_279 {strides = array<i32>} : memref<24x50xf32, #tpu.memory_space<vmem>>, vector<1x16xf32>,
      %get3A_280 = arith.constant 16 : i32
      %get3A_281 = arith.index_cast %get3A_280 : i32 to index
      %get3A_282 = arith.constant 0 : index
      %get3A_283 = tpu.vector_load %arg4[%get3A_281, %get3A_282] {strides = array<i32>} : memref<24x50xf32, #tpu.memory_space<vmem>>, vector<1x16xf32>,
      %get3A_284 = vector.shape_cast %get3A_283 : vector<1x16xf32> to vector<16xf32>
      %swap3A_285 = arith.constant 16 : i32
      %swap3A_286 = arith.index_cast %swap3A_285 : i32 to index
      %swap3A_287 = arith.constant 0 : index
      %swap3A_288 = tpu.vector_load %arg5[%swap3A_286, %swap3A_287] {strides = array<i32>} : memref<24x50xf32, #tpu.memory_space<vmem>>, vector<1x16xf32>,
      %swap3A_289 = vector.shape_cast %swap3A_288 : vector<1x16xf32> to vector<16xf32>
      %swap3A_290 = vector.shape_cast %get3A_284 : vector<16xf32> to vector<1x16xf32>
      tpu.vector_store %arg5[%swap3A_286, %swap3A_287], %swap3A_290 {strides = array<i32>} : memref<24x50xf32, #tpu.memory_space<vmem>>, vector<1x16xf32>,
      %get3A_291 = arith.constant 17 : i32
      %get3A_292 = arith.index_cast %get3A_291 : i32 to index
      %get3A_293 = arith.constant 0 : index
      %get3A_294 = tpu.vector_load %arg4[%get3A_292, %get3A_293] {strides = array<i32>} : memref<24x50xf32, #tpu.memory_space<vmem>>, vector<1x16xf32>,
      %get3A_295 = vector.shape_cast %get3A_294 : vector<1x16xf32> to vector<16xf32>
      %get3A_296 = arith.constant 18 : i32
      %get3A_297 = arith.index_cast %get3A_296 : i32 to index
      %get3A_298 = arith.constant 0 : index
      %get3A_299 = tpu.vector_load %arg4[%get3A_297, %get3A_298] {strides = array<i32>} : memref<24x50xf32, #tpu.memory_space<vmem>>, vector<1x16xf32>,
      %get3A_300 = vector.shape_cast %get3A_299 : vector<1x16xf32> to vector<16xf32>
      %add3A_301 = arith.addf %get3A_295, %get3A_300 : vector<16xf32>
      %swap3A_302 = arith.constant 17 : i32
      %swap3A_303 = arith.index_cast %swap3A_302 : i32 to index
      %swap3A_304 = arith.constant 0 : index
      %swap3A_305 = tpu.vector_load %arg5[%swap3A_303, %swap3A_304] {strides = array<i32>} : memref<24x50xf32, #tpu.memory_space<vmem>>, vector<1x16xf32>,
      %swap3A_306 = vector.shape_cast %swap3A_305 : vector<1x16xf32> to vector<16xf32>
      %swap3A_307 = vector.shape_cast %add3A_301 : vector<16xf32> to vector<1x16xf32>
      tpu.vector_store %arg5[%swap3A_303, %swap3A_304], %swap3A_307 {strides = array<i32>} : memref<24x50xf32, #tpu.memory_space<vmem>>, vector<1x16xf32>,
      %get3A_308 = arith.constant 18 : i32
      %get3A_309 = arith.index_cast %get3A_308 : i32 to index
      %get3A_310 = arith.constant 0 : index
      %get3A_311 = tpu.vector_load %arg4[%get3A_309, %get3A_310] {strides = array<i32>} : memref<24x50xf32, #tpu.memory_space<vmem>>, vector<1x16xf32>,
      %get3A_312 = vector.shape_cast %get3A_311 : vector<1x16xf32> to vector<16xf32>
      %get3A_313 = arith.constant 19 : i32
      %get3A_314 = arith.index_cast %get3A_313 : i32 to index
      %get3A_315 = arith.constant 0 : index
      %get3A_316 = tpu.vector_load %arg4[%get3A_314, %get3A_315] {strides = array<i32>} : memref<24x50xf32, #tpu.memory_space<vmem>>, vector<1x16xf32>,
      %get3A_317 = vector.shape_cast %get3A_316 : vector<1x16xf32> to vector<16xf32>
      %add3A_318 = arith.addf %get3A_312, %get3A_317 : vector<16xf32>
      %swap3A_319 = arith.constant 18 : i32
      %swap3A_320 = arith.index_cast %swap3A_319 : i32 to index
      %swap3A_321 = arith.constant 0 : index
      %swap3A_322 = tpu.vector_load %arg5[%swap3A_320, %swap3A_321] {strides = array<i32>} : memref<24x50xf32, #tpu.memory_space<vmem>>, vector<1x16xf32>,
      %swap3A_323 = vector.shape_cast %swap3A_322 : vector<1x16xf32> to vector<16xf32>
      %swap3A_324 = vector.shape_cast %add3A_318 : vector<16xf32> to vector<1x16xf32>
      tpu.vector_store %arg5[%swap3A_320, %swap3A_321], %swap3A_324 {strides = array<i32>} : memref<24x50xf32, #tpu.memory_space<vmem>>, vector<1x16xf32>,
      %get3A_325 = arith.constant 19 : i32
      %get3A_326 = arith.index_cast %get3A_325 : i32 to index
      %get3A_327 = arith.constant 0 : index
      %get3A_328 = tpu.vector_load %arg4[%get3A_326, %get3A_327] {strides = array<i32>} : memref<24x50xf32, #tpu.memory_space<vmem>>, vector<1x16xf32>,
      %get3A_329 = vector.shape_cast %get3A_328 : vector<1x16xf32> to vector<16xf32>
      %get3A_330 = arith.constant 20 : i32
      %get3A_331 = arith.index_cast %get3A_330 : i32 to index
      %get3A_332 = arith.constant 0 : index
      %get3A_333 = tpu.vector_load %arg4[%get3A_331, %get3A_332] {strides = array<i32>} : memref<24x50xf32, #tpu.memory_space<vmem>>, vector<1x16xf32>,
      %get3A_334 = vector.shape_cast %get3A_333 : vector<1x16xf32> to vector<16xf32>
      %add3A_335 = arith.addf %get3A_329, %get3A_334 : vector<16xf32>
      %get3A_336 = arith.constant 21 : i32
      %get3A_337 = arith.index_cast %get3A_336 : i32 to index
      %get3A_338 = arith.constant 0 : index
      %get3A_339 = tpu.vector_load %arg4[%get3A_337, %get3A_338] {strides = array<i32>} : memref<24x50xf32, #tpu.memory_space<vmem>>, vector<1x16xf32>,
      %get3A_340 = vector.shape_cast %get3A_339 : vector<1x16xf32> to vector<16xf32>
      %add3A_341 = arith.addf %add3A_335, %get3A_340 : vector<16xf32>
      %swap3A_342 = arith.constant 19 : i32
      %swap3A_343 = arith.index_cast %swap3A_342 : i32 to index
      %swap3A_344 = arith.constant 0 : index
      %swap3A_345 = tpu.vector_load %arg5[%swap3A_343, %swap3A_344] {strides = array<i32>} : memref<24x50xf32, #tpu.memory_space<vmem>>, vector<1x16xf32>,
      %swap3A_346 = vector.shape_cast %swap3A_345 : vector<1x16xf32> to vector<16xf32>
      %swap3A_347 = vector.shape_cast %add3A_341 : vector<16xf32> to vector<1x16xf32>
      tpu.vector_store %arg5[%swap3A_343, %swap3A_344], %swap3A_347 {strides = array<i32>} : memref<24x50xf32, #tpu.memory_space<vmem>>, vector<1x16xf32>,
      %get3A_348 = arith.constant 20 : i32
      %get3A_349 = arith.index_cast %get3A_348 : i32 to index
      %get3A_350 = arith.constant 0 : index
      %get3A_351 = tpu.vector_load %arg4[%get3A_349, %get3A_350] {strides = array<i32>} : memref<24x50xf32, #tpu.memory_space<vmem>>, vector<1x16xf32>,
      %get3A_352 = vector.shape_cast %get3A_351 : vector<1x16xf32> to vector<16xf32>
      %swap3A_353 = arith.constant 20 : i32
      %swap3A_354 = arith.index_cast %swap3A_353 : i32 to index
      %swap3A_355 = arith.constant 0 : index
      %swap3A_356 = tpu.vector_load %arg5[%swap3A_354, %swap3A_355] {strides = array<i32>} : memref<24x50xf32, #tpu.memory_space<vmem>>, vector<1x16xf32>,
      %swap3A_357 = vector.shape_cast %swap3A_356 : vector<1x16xf32> to vector<16xf32>
      %swap3A_358 = vector.shape_cast %get3A_352 : vector<16xf32> to vector<1x16xf32>
      tpu.vector_store %arg5[%swap3A_354, %swap3A_355], %swap3A_358 {strides = array<i32>} : memref<24x50xf32, #tpu.memory_space<vmem>>, vector<1x16xf32>,
      %get3A_359 = arith.constant 21 : i32
      %get3A_360 = arith.index_cast %get3A_359 : i32 to index
      %get3A_361 = arith.constant 0 : index
      %get3A_362 = tpu.vector_load %arg4[%get3A_360, %get3A_361] {strides = array<i32>} : memref<24x50xf32, #tpu.memory_space<vmem>>, vector<1x16xf32>,
      %get3A_363 = vector.shape_cast %get3A_362 : vector<1x16xf32> to vector<16xf32>
      %swap3A_364 = arith.constant 21 : i32
      %swap3A_365 = arith.index_cast %swap3A_364 : i32 to index
      %swap3A_366 = arith.constant 0 : index
      %swap3A_367 = tpu.vector_load %arg5[%swap3A_365, %swap3A_366] {strides = array<i32>} : memref<24x50xf32, #tpu.memory_space<vmem>>, vector<1x16xf32>,
      %swap3A_368 = vector.shape_cast %swap3A_367 : vector<1x16xf32> to vector<16xf32>
      %swap3A_369 = vector.shape_cast %get3A_363 : vector<16xf32> to vector<1x16xf32>
      tpu.vector_store %arg5[%swap3A_365, %swap3A_366], %swap3A_369 {strides = array<i32>} : memref<24x50xf32, #tpu.memory_space<vmem>>, vector<1x16xf32>,
      %swap3A_370 = arith.constant 22 : i32
      %swap3A_371 = arith.index_cast %swap3A_370 : i32 to index
      %swap3A_372 = arith.constant 0 : index
      %swap3A_373 = tpu.vector_load %arg5[%swap3A_371, %swap3A_372] {strides = array<i32>} : memref<24x50xf32, #tpu.memory_space<vmem>>, vector<1x16xf32>,
      %swap3A_374 = vector.shape_cast %swap3A_373 : vector<1x16xf32> to vector<16xf32>
      %swap3A_375 = vector.shape_cast %broadcast_in_dim3A_4 : vector<16xf32> to vector<1x16xf32>
      tpu.vector_store %arg5[%swap3A_371, %swap3A_372], %swap3A_375 {strides = array<i32>} : memref<24x50xf32, #tpu.memory_space<vmem>>, vector<1x16xf32>,
      %swap3A_376 = arith.constant 23 : i32
      %swap3A_377 = arith.index_cast %swap3A_376 : i32 to index
      %swap3A_378 = arith.constant 0 : index
      %swap3A_379 = tpu.vector_load %arg5[%swap3A_377, %swap3A_378] {strides = array<i32>} : memref<24x50xf32, #tpu.memory_space<vmem>>, vector<1x16xf32>,
      %swap3A_380 = vector.shape_cast %swap3A_379 : vector<1x16xf32> to vector<16xf32>
      %swap3A_381 = vector.shape_cast %broadcast_in_dim3A_4 : vector<16xf32> to vector<1x16xf32>
      tpu.vector_store %arg5[%swap3A_377, %swap3A_378], %swap3A_381 {strides = array<i32>} : memref<24x50xf32, #tpu.memory_space<vmem>>, vector<1x16xf32>,
      %get3A_382 = arith.constant 0 : i32
      %get3A_383 = arith.index_cast %get3A_382 : i32 to index
      %get3A_384 = arith.constant 16 : index
      %get3A_385 = tpu.vector_load %arg4[%get3A_383, %get3A_384] {strides = array<i32>} : memref<24x50xf32, #tpu.memory_space<vmem>>, vector<1x16xf32>,
      %get3A_386 = vector.shape_cast %get3A_385 : vector<1x16xf32> to vector<16xf32>
      %get3A_387 = arith.constant 1 : i32
      %get3A_388 = arith.index_cast %get3A_387 : i32 to index
      %get3A_389 = arith.constant 16 : index
      %get3A_390 = tpu.vector_load %arg4[%get3A_388, %get3A_389] {strides = array<i32>} : memref<24x50xf32, #tpu.memory_space<vmem>>, vector<1x16xf32>,
      %get3A_391 = vector.shape_cast %get3A_390 : vector<1x16xf32> to vector<16xf32>
      %add3A_392 = arith.addf %get3A_386, %get3A_391 : vector<16xf32>
      %get3A_393 = arith.constant 8 : i32
      %get3A_394 = arith.index_cast %get3A_393 : i32 to index
      %get3A_395 = arith.constant 16 : index
      %get3A_396 = tpu.vector_load %arg4[%get3A_394, %get3A_395] {strides = array<i32>} : memref<24x50xf32, #tpu.memory_space<vmem>>, vector<1x16xf32>,
      %get3A_397 = vector.shape_cast %get3A_396 : vector<1x16xf32> to vector<16xf32>
      %add3A_398 = arith.addf %add3A_392, %get3A_397 : vector<16xf32>
      %swap3A_399 = arith.constant 0 : i32
      %swap3A_400 = arith.index_cast %swap3A_399 : i32 to index
      %swap3A_401 = arith.constant 16 : index
      %swap3A_402 = tpu.vector_load %arg5[%swap3A_400, %swap3A_401] {strides = array<i32>} : memref<24x50xf32, #tpu.memory_space<vmem>>, vector<1x16xf32>,
      %swap3A_403 = vector.shape_cast %swap3A_402 : vector<1x16xf32> to vector<16xf32>
      %swap3A_404 = vector.shape_cast %add3A_398 : vector<16xf32> to vector<1x16xf32>
      tpu.vector_store %arg5[%swap3A_400, %swap3A_401], %swap3A_404 {strides = array<i32>} : memref<24x50xf32, #tpu.memory_space<vmem>>, vector<1x16xf32>,
      %get3A_405 = arith.constant 1 : i32
      %get3A_406 = arith.index_cast %get3A_405 : i32 to index
      %get3A_407 = arith.constant 16 : index
      %get3A_408 = tpu.vector_load %arg4[%get3A_406, %get3A_407] {strides = array<i32>} : memref<24x50xf32, #tpu.memory_space<vmem>>, vector<1x16xf32>,
      %get3A_409 = vector.shape_cast %get3A_408 : vector<1x16xf32> to vector<16xf32>
      %get3A_410 = arith.constant 2 : i32
      %get3A_411 = arith.index_cast %get3A_410 : i32 to index
      %get3A_412 = arith.constant 16 : index
      %get3A_413 = tpu.vector_load %arg4[%get3A_411, %get3A_412] {strides = array<i32>} : memref<24x50xf32, #tpu.memory_space<vmem>>, vector<1x16xf32>,
      %get3A_414 = vector.shape_cast %get3A_413 : vector<1x16xf32> to vector<16xf32>
      %add3A_415 = arith.addf %get3A_409, %get3A_414 : vector<16xf32>
      %swap3A_416 = arith.constant 1 : i32
      %swap3A_417 = arith.index_cast %swap3A_416 : i32 to index
      %swap3A_418 = arith.constant 16 : index
      %swap3A_419 = tpu.vector_load %arg5[%swap3A_417, %swap3A_418] {strides = array<i32>} : memref<24x50xf32, #tpu.memory_space<vmem>>, vector<1x16xf32>,
      %swap3A_420 = vector.shape_cast %swap3A_419 : vector<1x16xf32> to vector<16xf32>
      %swap3A_421 = vector.shape_cast %add3A_415 : vector<16xf32> to vector<1x16xf32>
      tpu.vector_store %arg5[%swap3A_417, %swap3A_418], %swap3A_421 {strides = array<i32>} : memref<24x50xf32, #tpu.memory_space<vmem>>, vector<1x16xf32>,
      %get3A_422 = arith.constant 2 : i32
      %get3A_423 = arith.index_cast %get3A_422 : i32 to index
      %get3A_424 = arith.constant 16 : index
      %get3A_425 = tpu.vector_load %arg4[%get3A_423, %get3A_424] {strides = array<i32>} : memref<24x50xf32, #tpu.memory_space<vmem>>, vector<1x16xf32>,
      %get3A_426 = vector.shape_cast %get3A_425 : vector<1x16xf32> to vector<16xf32>
      %get3A_427 = arith.constant 3 : i32
      %get3A_428 = arith.index_cast %get3A_427 : i32 to index
      %get3A_429 = arith.constant 16 : index
      %get3A_430 = tpu.vector_load %arg4[%get3A_428, %get3A_429] {strides = array<i32>} : memref<24x50xf32, #tpu.memory_space<vmem>>, vector<1x16xf32>,
      %get3A_431 = vector.shape_cast %get3A_430 : vector<1x16xf32> to vector<16xf32>
      %add3A_432 = arith.addf %get3A_426, %get3A_431 : vector<16xf32>
      %swap3A_433 = arith.constant 2 : i32
      %swap3A_434 = arith.index_cast %swap3A_433 : i32 to index
      %swap3A_435 = arith.constant 16 : index
      %swap3A_436 = tpu.vector_load %arg5[%swap3A_434, %swap3A_435] {strides = array<i32>} : memref<24x50xf32, #tpu.memory_space<vmem>>, vector<1x16xf32>,
      %swap3A_437 = vector.shape_cast %swap3A_436 : vector<1x16xf32> to vector<16xf32>
      %swap3A_438 = vector.shape_cast %add3A_432 : vector<16xf32> to vector<1x16xf32>
      tpu.vector_store %arg5[%swap3A_434, %swap3A_435], %swap3A_438 {strides = array<i32>} : memref<24x50xf32, #tpu.memory_space<vmem>>, vector<1x16xf32>,
      %get3A_439 = arith.constant 3 : i32
      %get3A_440 = arith.index_cast %get3A_439 : i32 to index
      %get3A_441 = arith.constant 16 : index
      %get3A_442 = tpu.vector_load %arg4[%get3A_440, %get3A_441] {strides = array<i32>} : memref<24x50xf32, #tpu.memory_space<vmem>>, vector<1x16xf32>,
      %get3A_443 = vector.shape_cast %get3A_442 : vector<1x16xf32> to vector<16xf32>
      %swap3A_444 = arith.constant 3 : i32
      %swap3A_445 = arith.index_cast %swap3A_444 : i32 to index
      %swap3A_446 = arith.constant 16 : index
      %swap3A_447 = tpu.vector_load %arg5[%swap3A_445, %swap3A_446] {strides = array<i32>} : memref<24x50xf32, #tpu.memory_space<vmem>>, vector<1x16xf32>,
      %swap3A_448 = vector.shape_cast %swap3A_447 : vector<1x16xf32> to vector<16xf32>
      %swap3A_449 = vector.shape_cast %get3A_443 : vector<16xf32> to vector<1x16xf32>
      tpu.vector_store %arg5[%swap3A_445, %swap3A_446], %swap3A_449 {strides = array<i32>} : memref<24x50xf32, #tpu.memory_space<vmem>>, vector<1x16xf32>,
      %get3A_450 = arith.constant 4 : i32
      %get3A_451 = arith.index_cast %get3A_450 : i32 to index
      %get3A_452 = arith.constant 16 : index
      %get3A_453 = tpu.vector_load %arg4[%get3A_451, %get3A_452] {strides = array<i32>} : memref<24x50xf32, #tpu.memory_space<vmem>>, vector<1x16xf32>,
      %get3A_454 = vector.shape_cast %get3A_453 : vector<1x16xf32> to vector<16xf32>
      %get3A_455 = arith.constant 5 : i32
      %get3A_456 = arith.index_cast %get3A_455 : i32 to index
      %get3A_457 = arith.constant 16 : index
      %get3A_458 = tpu.vector_load %arg4[%get3A_456, %get3A_457] {strides = array<i32>} : memref<24x50xf32, #tpu.memory_space<vmem>>, vector<1x16xf32>,
      %get3A_459 = vector.shape_cast %get3A_458 : vector<1x16xf32> to vector<16xf32>
      %add3A_460 = arith.addf %get3A_454, %get3A_459 : vector<16xf32>
      %get3A_461 = arith.constant 8 : i32
      %get3A_462 = arith.index_cast %get3A_461 : i32 to index
      %get3A_463 = arith.constant 16 : index
      %get3A_464 = tpu.vector_load %arg4[%get3A_462, %get3A_463] {strides = array<i32>} : memref<24x50xf32, #tpu.memory_space<vmem>>, vector<1x16xf32>,
      %get3A_465 = vector.shape_cast %get3A_464 : vector<1x16xf32> to vector<16xf32>
      %add3A_466 = arith.addf %add3A_460, %get3A_465 : vector<16xf32>
      %swap3A_467 = arith.constant 4 : i32
      %swap3A_468 = arith.index_cast %swap3A_467 : i32 to index
      %swap3A_469 = arith.constant 16 : index
      %swap3A_470 = tpu.vector_load %arg5[%swap3A_468, %swap3A_469] {strides = array<i32>} : memref<24x50xf32, #tpu.memory_space<vmem>>, vector<1x16xf32>,
      %swap3A_471 = vector.shape_cast %swap3A_470 : vector<1x16xf32> to vector<16xf32>
      %swap3A_472 = vector.shape_cast %add3A_466 : vector<16xf32> to vector<1x16xf32>
      tpu.vector_store %arg5[%swap3A_468, %swap3A_469], %swap3A_472 {strides = array<i32>} : memref<24x50xf32, #tpu.memory_space<vmem>>, vector<1x16xf32>,
      %get3A_473 = arith.constant 5 : i32
      %get3A_474 = arith.index_cast %get3A_473 : i32 to index
      %get3A_475 = arith.constant 16 : index
      %get3A_476 = tpu.vector_load %arg4[%get3A_474, %get3A_475] {strides = array<i32>} : memref<24x50xf32, #tpu.memory_space<vmem>>, vector<1x16xf32>,
      %get3A_477 = vector.shape_cast %get3A_476 : vector<1x16xf32> to vector<16xf32>
      %get3A_478 = arith.constant 6 : i32
      %get3A_479 = arith.index_cast %get3A_478 : i32 to index
      %get3A_480 = arith.constant 16 : index
      %get3A_481 = tpu.vector_load %arg4[%get3A_479, %get3A_480] {strides = array<i32>} : memref<24x50xf32, #tpu.memory_space<vmem>>, vector<1x16xf32>,
      %get3A_482 = vector.shape_cast %get3A_481 : vector<1x16xf32> to vector<16xf32>
      %add3A_483 = arith.addf %get3A_477, %get3A_482 : vector<16xf32>
      %swap3A_484 = arith.constant 5 : i32
      %swap3A_485 = arith.index_cast %swap3A_484 : i32 to index
      %swap3A_486 = arith.constant 16 : index
      %swap3A_487 = tpu.vector_load %arg5[%swap3A_485, %swap3A_486] {strides = array<i32>} : memref<24x50xf32, #tpu.memory_space<vmem>>, vector<1x16xf32>,
      %swap3A_488 = vector.shape_cast %swap3A_487 : vector<1x16xf32> to vector<16xf32>
      %swap3A_489 = vector.shape_cast %add3A_483 : vector<16xf32> to vector<1x16xf32>
      tpu.vector_store %arg5[%swap3A_485, %swap3A_486], %swap3A_489 {strides = array<i32>} : memref<24x50xf32, #tpu.memory_space<vmem>>, vector<1x16xf32>,
      %get3A_490 = arith.constant 6 : i32
      %get3A_491 = arith.index_cast %get3A_490 : i32 to index
      %get3A_492 = arith.constant 16 : index
      %get3A_493 = tpu.vector_load %arg4[%get3A_491, %get3A_492] {strides = array<i32>} : memref<24x50xf32, #tpu.memory_space<vmem>>, vector<1x16xf32>,
      %get3A_494 = vector.shape_cast %get3A_493 : vector<1x16xf32> to vector<16xf32>
      %get3A_495 = arith.constant 7 : i32
      %get3A_496 = arith.index_cast %get3A_495 : i32 to index
      %get3A_497 = arith.constant 16 : index
      %get3A_498 = tpu.vector_load %arg4[%get3A_496, %get3A_497] {strides = array<i32>} : memref<24x50xf32, #tpu.memory_space<vmem>>, vector<1x16xf32>,
      %get3A_499 = vector.shape_cast %get3A_498 : vector<1x16xf32> to vector<16xf32>
      %add3A_500 = arith.addf %get3A_494, %get3A_499 : vector<16xf32>
      %swap3A_501 = arith.constant 6 : i32
      %swap3A_502 = arith.index_cast %swap3A_501 : i32 to index
      %swap3A_503 = arith.constant 16 : index
      %swap3A_504 = tpu.vector_load %arg5[%swap3A_502, %swap3A_503] {strides = array<i32>} : memref<24x50xf32, #tpu.memory_space<vmem>>, vector<1x16xf32>,
      %swap3A_505 = vector.shape_cast %swap3A_504 : vector<1x16xf32> to vector<16xf32>
      %swap3A_506 = vector.shape_cast %add3A_500 : vector<16xf32> to vector<1x16xf32>
      tpu.vector_store %arg5[%swap3A_502, %swap3A_503], %swap3A_506 {strides = array<i32>} : memref<24x50xf32, #tpu.memory_space<vmem>>, vector<1x16xf32>,
      %get3A_507 = arith.constant 7 : i32
      %get3A_508 = arith.index_cast %get3A_507 : i32 to index
      %get3A_509 = arith.constant 16 : index
      %get3A_510 = tpu.vector_load %arg4[%get3A_508, %get3A_509] {strides = array<i32>} : memref<24x50xf32, #tpu.memory_space<vmem>>, vector<1x16xf32>,
      %get3A_511 = vector.shape_cast %get3A_510 : vector<1x16xf32> to vector<16xf32>
      %swap3A_512 = arith.constant 7 : i32
      %swap3A_513 = arith.index_cast %swap3A_512 : i32 to index
      %swap3A_514 = arith.constant 16 : index
      %swap3A_515 = tpu.vector_load %arg5[%swap3A_513, %swap3A_514] {strides = array<i32>} : memref<24x50xf32, #tpu.memory_space<vmem>>, vector<1x16xf32>,
      %swap3A_516 = vector.shape_cast %swap3A_515 : vector<1x16xf32> to vector<16xf32>
      %swap3A_517 = vector.shape_cast %get3A_511 : vector<16xf32> to vector<1x16xf32>
      tpu.vector_store %arg5[%swap3A_513, %swap3A_514], %swap3A_517 {strides = array<i32>} : memref<24x50xf32, #tpu.memory_space<vmem>>, vector<1x16xf32>,
      %get3A_518 = arith.constant 8 : i32
      %get3A_519 = arith.index_cast %get3A_518 : i32 to index
      %get3A_520 = arith.constant 16 : index
      %get3A_521 = tpu.vector_load %arg4[%get3A_519, %get3A_520] {strides = array<i32>} : memref<24x50xf32, #tpu.memory_space<vmem>>, vector<1x16xf32>,
      %get3A_522 = vector.shape_cast %get3A_521 : vector<1x16xf32> to vector<16xf32>
      %get3A_523 = arith.constant 9 : i32
      %get3A_524 = arith.index_cast %get3A_523 : i32 to index
      %get3A_525 = arith.constant 16 : index
      %get3A_526 = tpu.vector_load %arg4[%get3A_524, %get3A_525] {strides = array<i32>} : memref<24x50xf32, #tpu.memory_space<vmem>>, vector<1x16xf32>,
      %get3A_527 = vector.shape_cast %get3A_526 : vector<1x16xf32> to vector<16xf32>
      %add3A_528 = arith.addf %get3A_522, %get3A_527 : vector<16xf32>
      %swap3A_529 = arith.constant 8 : i32
      %swap3A_530 = arith.index_cast %swap3A_529 : i32 to index
      %swap3A_531 = arith.constant 16 : index
      %swap3A_532 = tpu.vector_load %arg5[%swap3A_530, %swap3A_531] {strides = array<i32>} : memref<24x50xf32, #tpu.memory_space<vmem>>, vector<1x16xf32>,
      %swap3A_533 = vector.shape_cast %swap3A_532 : vector<1x16xf32> to vector<16xf32>
      %swap3A_534 = vector.shape_cast %add3A_528 : vector<16xf32> to vector<1x16xf32>
      tpu.vector_store %arg5[%swap3A_530, %swap3A_531], %swap3A_534 {strides = array<i32>} : memref<24x50xf32, #tpu.memory_space<vmem>>, vector<1x16xf32>,
      %get3A_535 = arith.constant 9 : i32
      %get3A_536 = arith.index_cast %get3A_535 : i32 to index
      %get3A_537 = arith.constant 16 : index
      %get3A_538 = tpu.vector_load %arg4[%get3A_536, %get3A_537] {strides = array<i32>} : memref<24x50xf32, #tpu.memory_space<vmem>>, vector<1x16xf32>,
      %get3A_539 = vector.shape_cast %get3A_538 : vector<1x16xf32> to vector<16xf32>
      %get3A_540 = arith.constant 10 : i32
      %get3A_541 = arith.index_cast %get3A_540 : i32 to index
      %get3A_542 = arith.constant 16 : index
      %get3A_543 = tpu.vector_load %arg4[%get3A_541, %get3A_542] {strides = array<i32>} : memref<24x50xf32, #tpu.memory_space<vmem>>, vector<1x16xf32>,
      %get3A_544 = vector.shape_cast %get3A_543 : vector<1x16xf32> to vector<16xf32>
      %add3A_545 = arith.addf %get3A_539, %get3A_544 : vector<16xf32>
      %get3A_546 = arith.constant 12 : i32
      %get3A_547 = arith.index_cast %get3A_546 : i32 to index
      %get3A_548 = arith.constant 16 : index
      %get3A_549 = tpu.vector_load %arg4[%get3A_547, %get3A_548] {strides = array<i32>} : memref<24x50xf32, #tpu.memory_space<vmem>>, vector<1x16xf32>,
      %get3A_550 = vector.shape_cast %get3A_549 : vector<1x16xf32> to vector<16xf32>
      %add3A_551 = arith.addf %add3A_545, %get3A_550 : vector<16xf32>
      %get3A_552 = arith.constant 17 : i32
      %get3A_553 = arith.index_cast %get3A_552 : i32 to index
      %get3A_554 = arith.constant 16 : index
      %get3A_555 = tpu.vector_load %arg4[%get3A_553, %get3A_554] {strides = array<i32>} : memref<24x50xf32, #tpu.memory_space<vmem>>, vector<1x16xf32>,
      %get3A_556 = vector.shape_cast %get3A_555 : vector<1x16xf32> to vector<16xf32>
      %add3A_557 = arith.addf %add3A_551, %get3A_556 : vector<16xf32>
      %swap3A_558 = arith.constant 9 : i32
      %swap3A_559 = arith.index_cast %swap3A_558 : i32 to index
      %swap3A_560 = arith.constant 16 : index
      %swap3A_561 = tpu.vector_load %arg5[%swap3A_559, %swap3A_560] {strides = array<i32>} : memref<24x50xf32, #tpu.memory_space<vmem>>, vector<1x16xf32>,
      %swap3A_562 = vector.shape_cast %swap3A_561 : vector<1x16xf32> to vector<16xf32>
      %swap3A_563 = vector.shape_cast %add3A_557 : vector<16xf32> to vector<1x16xf32>
      tpu.vector_store %arg5[%swap3A_559, %swap3A_560], %swap3A_563 {strides = array<i32>} : memref<24x50xf32, #tpu.memory_space<vmem>>, vector<1x16xf32>,
      %get3A_564 = arith.constant 10 : i32
      %get3A_565 = arith.index_cast %get3A_564 : i32 to index
      %get3A_566 = arith.constant 16 : index
      %get3A_567 = tpu.vector_load %arg4[%get3A_565, %get3A_566] {strides = array<i32>} : memref<24x50xf32, #tpu.memory_space<vmem>>, vector<1x16xf32>,
      %get3A_568 = vector.shape_cast %get3A_567 : vector<1x16xf32> to vector<16xf32>
      %get3A_569 = arith.constant 11 : i32
      %get3A_570 = arith.index_cast %get3A_569 : i32 to index
      %get3A_571 = arith.constant 16 : index
      %get3A_572 = tpu.vector_load %arg4[%get3A_570, %get3A_571] {strides = array<i32>} : memref<24x50xf32, #tpu.memory_space<vmem>>, vector<1x16xf32>,
      %get3A_573 = vector.shape_cast %get3A_572 : vector<1x16xf32> to vector<16xf32>
      %add3A_574 = arith.addf %get3A_568, %get3A_573 : vector<16xf32>
      %swap3A_575 = arith.constant 10 : i32
      %swap3A_576 = arith.index_cast %swap3A_575 : i32 to index
      %swap3A_577 = arith.constant 16 : index
      %swap3A_578 = tpu.vector_load %arg5[%swap3A_576, %swap3A_577] {strides = array<i32>} : memref<24x50xf32, #tpu.memory_space<vmem>>, vector<1x16xf32>,
      %swap3A_579 = vector.shape_cast %swap3A_578 : vector<1x16xf32> to vector<16xf32>
      %swap3A_580 = vector.shape_cast %add3A_574 : vector<16xf32> to vector<1x16xf32>
      tpu.vector_store %arg5[%swap3A_576, %swap3A_577], %swap3A_580 {strides = array<i32>} : memref<24x50xf32, #tpu.memory_space<vmem>>, vector<1x16xf32>,
      %get3A_581 = arith.constant 11 : i32
      %get3A_582 = arith.index_cast %get3A_581 : i32 to index
      %get3A_583 = arith.constant 16 : index
      %get3A_584 = tpu.vector_load %arg4[%get3A_582, %get3A_583] {strides = array<i32>} : memref<24x50xf32, #tpu.memory_space<vmem>>, vector<1x16xf32>,
      %get3A_585 = vector.shape_cast %get3A_584 : vector<1x16xf32> to vector<16xf32>
      %swap3A_586 = arith.constant 11 : i32
      %swap3A_587 = arith.index_cast %swap3A_586 : i32 to index
      %swap3A_588 = arith.constant 16 : index
      %swap3A_589 = tpu.vector_load %arg5[%swap3A_587, %swap3A_588] {strides = array<i32>} : memref<24x50xf32, #tpu.memory_space<vmem>>, vector<1x16xf32>,
      %swap3A_590 = vector.shape_cast %swap3A_589 : vector<1x16xf32> to vector<16xf32>
      %swap3A_591 = vector.shape_cast %get3A_585 : vector<16xf32> to vector<1x16xf32>
      tpu.vector_store %arg5[%swap3A_587, %swap3A_588], %swap3A_591 {strides = array<i32>} : memref<24x50xf32, #tpu.memory_space<vmem>>, vector<1x16xf32>,
      %get3A_592 = arith.constant 12 : i32
      %get3A_593 = arith.index_cast %get3A_592 : i32 to index
      %get3A_594 = arith.constant 16 : index
      %get3A_595 = tpu.vector_load %arg4[%get3A_593, %get3A_594] {strides = array<i32>} : memref<24x50xf32, #tpu.memory_space<vmem>>, vector<1x16xf32>,
      %get3A_596 = vector.shape_cast %get3A_595 : vector<1x16xf32> to vector<16xf32>
      %get3A_597 = arith.constant 13 : i32
      %get3A_598 = arith.index_cast %get3A_597 : i32 to index
      %get3A_599 = arith.constant 16 : index
      %get3A_600 = tpu.vector_load %arg4[%get3A_598, %get3A_599] {strides = array<i32>} : memref<24x50xf32, #tpu.memory_space<vmem>>, vector<1x16xf32>,
      %get3A_601 = vector.shape_cast %get3A_600 : vector<1x16xf32> to vector<16xf32>
      %add3A_602 = arith.addf %get3A_596, %get3A_601 : vector<16xf32>
      %swap3A_603 = arith.constant 12 : i32
      %swap3A_604 = arith.index_cast %swap3A_603 : i32 to index
      %swap3A_605 = arith.constant 16 : index
      %swap3A_606 = tpu.vector_load %arg5[%swap3A_604, %swap3A_605] {strides = array<i32>} : memref<24x50xf32, #tpu.memory_space<vmem>>, vector<1x16xf32>,
      %swap3A_607 = vector.shape_cast %swap3A_606 : vector<1x16xf32> to vector<16xf32>
      %swap3A_608 = vector.shape_cast %add3A_602 : vector<16xf32> to vector<1x16xf32>
      tpu.vector_store %arg5[%swap3A_604, %swap3A_605], %swap3A_608 {strides = array<i32>} : memref<24x50xf32, #tpu.memory_space<vmem>>, vector<1x16xf32>,
      %get3A_609 = arith.constant 13 : i32
      %get3A_610 = arith.index_cast %get3A_609 : i32 to index
      %get3A_611 = arith.constant 16 : index
      %get3A_612 = tpu.vector_load %arg4[%get3A_610, %get3A_611] {strides = array<i32>} : memref<24x50xf32, #tpu.memory_space<vmem>>, vector<1x16xf32>,
      %get3A_613 = vector.shape_cast %get3A_612 : vector<1x16xf32> to vector<16xf32>
      %get3A_614 = arith.constant 14 : i32
      %get3A_615 = arith.index_cast %get3A_614 : i32 to index
      %get3A_616 = arith.constant 16 : index
      %get3A_617 = tpu.vector_load %arg4[%get3A_615, %get3A_616] {strides = array<i32>} : memref<24x50xf32, #tpu.memory_space<vmem>>, vector<1x16xf32>,
      %get3A_618 = vector.shape_cast %get3A_617 : vector<1x16xf32> to vector<16xf32>
      %add3A_619 = arith.addf %get3A_613, %get3A_618 : vector<16xf32>
      %swap3A_620 = arith.constant 13 : i32
      %swap3A_621 = arith.index_cast %swap3A_620 : i32 to index
      %swap3A_622 = arith.constant 16 : index
      %swap3A_623 = tpu.vector_load %arg5[%swap3A_621, %swap3A_622] {strides = array<i32>} : memref<24x50xf32, #tpu.memory_space<vmem>>, vector<1x16xf32>,
      %swap3A_624 = vector.shape_cast %swap3A_623 : vector<1x16xf32> to vector<16xf32>
      %swap3A_625 = vector.shape_cast %add3A_619 : vector<16xf32> to vector<1x16xf32>
      tpu.vector_store %arg5[%swap3A_621, %swap3A_622], %swap3A_625 {strides = array<i32>} : memref<24x50xf32, #tpu.memory_space<vmem>>, vector<1x16xf32>,
      %get3A_626 = arith.constant 14 : i32
      %get3A_627 = arith.index_cast %get3A_626 : i32 to index
      %get3A_628 = arith.constant 16 : index
      %get3A_629 = tpu.vector_load %arg4[%get3A_627, %get3A_628] {strides = array<i32>} : memref<24x50xf32, #tpu.memory_space<vmem>>, vector<1x16xf32>,
      %get3A_630 = vector.shape_cast %get3A_629 : vector<1x16xf32> to vector<16xf32>
      %get3A_631 = arith.constant 15 : i32
      %get3A_632 = arith.index_cast %get3A_631 : i32 to index
      %get3A_633 = arith.constant 16 : index
      %get3A_634 = tpu.vector_load %arg4[%get3A_632, %get3A_633] {strides = array<i32>} : memref<24x50xf32, #tpu.memory_space<vmem>>, vector<1x16xf32>,
      %get3A_635 = vector.shape_cast %get3A_634 : vector<1x16xf32> to vector<16xf32>
      %add3A_636 = arith.addf %get3A_630, %get3A_635 : vector<16xf32>
      %get3A_637 = arith.constant 16 : i32
      %get3A_638 = arith.index_cast %get3A_637 : i32 to index
      %get3A_639 = arith.constant 16 : index
      %get3A_640 = tpu.vector_load %arg4[%get3A_638, %get3A_639] {strides = array<i32>} : memref<24x50xf32, #tpu.memory_space<vmem>>, vector<1x16xf32>,
      %get3A_641 = vector.shape_cast %get3A_640 : vector<1x16xf32> to vector<16xf32>
      %add3A_642 = arith.addf %add3A_636, %get3A_641 : vector<16xf32>
      %swap3A_643 = arith.constant 14 : i32
      %swap3A_644 = arith.index_cast %swap3A_643 : i32 to index
      %swap3A_645 = arith.constant 16 : index
      %swap3A_646 = tpu.vector_load %arg5[%swap3A_644, %swap3A_645] {strides = array<i32>} : memref<24x50xf32, #tpu.memory_space<vmem>>, vector<1x16xf32>,
      %swap3A_647 = vector.shape_cast %swap3A_646 : vector<1x16xf32> to vector<16xf32>
      %swap3A_648 = vector.shape_cast %add3A_642 : vector<16xf32> to vector<1x16xf32>
      tpu.vector_store %arg5[%swap3A_644, %swap3A_645], %swap3A_648 {strides = array<i32>} : memref<24x50xf32, #tpu.memory_space<vmem>>, vector<1x16xf32>,
      %get3A_649 = arith.constant 15 : i32
      %get3A_650 = arith.index_cast %get3A_649 : i32 to index
      %get3A_651 = arith.constant 16 : index
      %get3A_652 = tpu.vector_load %arg4[%get3A_650, %get3A_651] {strides = array<i32>} : memref<24x50xf32, #tpu.memory_space<vmem>>, vector<1x16xf32>,
      %get3A_653 = vector.shape_cast %get3A_652 : vector<1x16xf32> to vector<16xf32>
      %swap3A_654 = arith.constant 15 : i32
      %swap3A_655 = arith.index_cast %swap3A_654 : i32 to index
      %swap3A_656 = arith.constant 16 : index
      %swap3A_657 = tpu.vector_load %arg5[%swap3A_655, %swap3A_656] {strides = array<i32>} : memref<24x50xf32, #tpu.memory_space<vmem>>, vector<1x16xf32>,
      %swap3A_658 = vector.shape_cast %swap3A_657 : vector<1x16xf32> to vector<16xf32>
      %swap3A_659 = vector.shape_cast %get3A_653 : vector<16xf32> to vector<1x16xf32>
      tpu.vector_store %arg5[%swap3A_655, %swap3A_656], %swap3A_659 {strides = array<i32>} : memref<24x50xf32, #tpu.memory_space<vmem>>, vector<1x16xf32>,
      %get3A_660 = arith.constant 16 : i32
      %get3A_661 = arith.index_cast %get3A_660 : i32 to index
      %get3A_662 = arith.constant 16 : index
      %get3A_663 = tpu.vector_load %arg4[%get3A_661, %get3A_662] {strides = array<i32>} : memref<24x50xf32, #tpu.memory_space<vmem>>, vector<1x16xf32>,
      %get3A_664 = vector.shape_cast %get3A_663 : vector<1x16xf32> to vector<16xf32>
      %swap3A_665 = arith.constant 16 : i32
      %swap3A_666 = arith.index_cast %swap3A_665 : i32 to index
      %swap3A_667 = arith.constant 16 : index
      %swap3A_668 = tpu.vector_load %arg5[%swap3A_666, %swap3A_667] {strides = array<i32>} : memref<24x50xf32, #tpu.memory_space<vmem>>, vector<1x16xf32>,
      %swap3A_669 = vector.shape_cast %swap3A_668 : vector<1x16xf32> to vector<16xf32>
      %swap3A_670 = vector.shape_cast %get3A_664 : vector<16xf32> to vector<1x16xf32>
      tpu.vector_store %arg5[%swap3A_666, %swap3A_667], %swap3A_670 {strides = array<i32>} : memref<24x50xf32, #tpu.memory_space<vmem>>, vector<1x16xf32>,
      %get3A_671 = arith.constant 17 : i32
      %get3A_672 = arith.index_cast %get3A_671 : i32 to index
      %get3A_673 = arith.constant 16 : index
      %get3A_674 = tpu.vector_load %arg4[%get3A_672, %get3A_673] {strides = array<i32>} : memref<24x50xf32, #tpu.memory_space<vmem>>, vector<1x16xf32>,
      %get3A_675 = vector.shape_cast %get3A_674 : vector<1x16xf32> to vector<16xf32>
      %get3A_676 = arith.constant 18 : i32
      %get3A_677 = arith.index_cast %get3A_676 : i32 to index
      %get3A_678 = arith.constant 16 : index
      %get3A_679 = tpu.vector_load %arg4[%get3A_677, %get3A_678] {strides = array<i32>} : memref<24x50xf32, #tpu.memory_space<vmem>>, vector<1x16xf32>,
      %get3A_680 = vector.shape_cast %get3A_679 : vector<1x16xf32> to vector<16xf32>
      %add3A_681 = arith.addf %get3A_675, %get3A_680 : vector<16xf32>
      %swap3A_682 = arith.constant 17 : i32
      %swap3A_683 = arith.index_cast %swap3A_682 : i32 to index
      %swap3A_684 = arith.constant 16 : index
      %swap3A_685 = tpu.vector_load %arg5[%swap3A_683, %swap3A_684] {strides = array<i32>} : memref<24x50xf32, #tpu.memory_space<vmem>>, vector<1x16xf32>,
      %swap3A_686 = vector.shape_cast %swap3A_685 : vector<1x16xf32> to vector<16xf32>
      %swap3A_687 = vector.shape_cast %add3A_681 : vector<16xf32> to vector<1x16xf32>
      tpu.vector_store %arg5[%swap3A_683, %swap3A_684], %swap3A_687 {strides = array<i32>} : memref<24x50xf32, #tpu.memory_space<vmem>>, vector<1x16xf32>,
      %get3A_688 = arith.constant 18 : i32
      %get3A_689 = arith.index_cast %get3A_688 : i32 to index
      %get3A_690 = arith.constant 16 : index
      %get3A_691 = tpu.vector_load %arg4[%get3A_689, %get3A_690] {strides = array<i32>} : memref<24x50xf32, #tpu.memory_space<vmem>>, vector<1x16xf32>,
      %get3A_692 = vector.shape_cast %get3A_691 : vector<1x16xf32> to vector<16xf32>
      %get3A_693 = arith.constant 19 : i32
      %get3A_694 = arith.index_cast %get3A_693 : i32 to index
      %get3A_695 = arith.constant 16 : index
      %get3A_696 = tpu.vector_load %arg4[%get3A_694, %get3A_695] {strides = array<i32>} : memref<24x50xf32, #tpu.memory_space<vmem>>, vector<1x16xf32>,
      %get3A_697 = vector.shape_cast %get3A_696 : vector<1x16xf32> to vector<16xf32>
      %add3A_698 = arith.addf %get3A_692, %get3A_697 : vector<16xf32>
      %swap3A_699 = arith.constant 18 : i32
      %swap3A_700 = arith.index_cast %swap3A_699 : i32 to index
      %swap3A_701 = arith.constant 16 : index
      %swap3A_702 = tpu.vector_load %arg5[%swap3A_700, %swap3A_701] {strides = array<i32>} : memref<24x50xf32, #tpu.memory_space<vmem>>, vector<1x16xf32>,
      %swap3A_703 = vector.shape_cast %swap3A_702 : vector<1x16xf32> to vector<16xf32>
      %swap3A_704 = vector.shape_cast %add3A_698 : vector<16xf32> to vector<1x16xf32>
      tpu.vector_store %arg5[%swap3A_700, %swap3A_701], %swap3A_704 {strides = array<i32>} : memref<24x50xf32, #tpu.memory_space<vmem>>, vector<1x16xf32>,
      %get3A_705 = arith.constant 19 : i32
      %get3A_706 = arith.index_cast %get3A_705 : i32 to index
      %get3A_707 = arith.constant 16 : index
      %get3A_708 = tpu.vector_load %arg4[%get3A_706, %get3A_707] {strides = array<i32>} : memref<24x50xf32, #tpu.memory_space<vmem>>, vector<1x16xf32>,
      %get3A_709 = vector.shape_cast %get3A_708 : vector<1x16xf32> to vector<16xf32>
      %get3A_710 = arith.constant 20 : i32
      %get3A_711 = arith.index_cast %get3A_710 : i32 to index
      %get3A_712 = arith.constant 16 : index
      %get3A_713 = tpu.vector_load %arg4[%get3A_711, %get3A_712] {strides = array<i32>} : memref<24x50xf32, #tpu.memory_space<vmem>>, vector<1x16xf32>,
      %get3A_714 = vector.shape_cast %get3A_713 : vector<1x16xf32> to vector<16xf32>
      %add3A_715 = arith.addf %get3A_709, %get3A_714 : vector<16xf32>
      %get3A_716 = arith.constant 21 : i32
      %get3A_717 = arith.index_cast %get3A_716 : i32 to index
      %get3A_718 = arith.constant 16 : index
      %get3A_719 = tpu.vector_load %arg4[%get3A_717, %get3A_718] {strides = array<i32>} : memref<24x50xf32, #tpu.memory_space<vmem>>, vector<1x16xf32>,
      %get3A_720 = vector.shape_cast %get3A_719 : vector<1x16xf32> to vector<16xf32>
      %add3A_721 = arith.addf %add3A_715, %get3A_720 : vector<16xf32>
      %swap3A_722 = arith.constant 19 : i32
      %swap3A_723 = arith.index_cast %swap3A_722 : i32 to index
      %swap3A_724 = arith.constant 16 : index
      %swap3A_725 = tpu.vector_load %arg5[%swap3A_723, %swap3A_724] {strides = array<i32>} : memref<24x50xf32, #tpu.memory_space<vmem>>, vector<1x16xf32>,
      %swap3A_726 = vector.shape_cast %swap3A_725 : vector<1x16xf32> to vector<16xf32>
      %swap3A_727 = vector.shape_cast %add3A_721 : vector<16xf32> to vector<1x16xf32>
      tpu.vector_store %arg5[%swap3A_723, %swap3A_724], %swap3A_727 {strides = array<i32>} : memref<24x50xf32, #tpu.memory_space<vmem>>, vector<1x16xf32>,
      %get3A_728 = arith.constant 20 : i32
      %get3A_729 = arith.index_cast %get3A_728 : i32 to index
      %get3A_730 = arith.constant 16 : index
      %get3A_731 = tpu.vector_load %arg4[%get3A_729, %get3A_730] {strides = array<i32>} : memref<24x50xf32, #tpu.memory_space<vmem>>, vector<1x16xf32>,
      %get3A_732 = vector.shape_cast %get3A_731 : vector<1x16xf32> to vector<16xf32>
      %swap3A_733 = arith.constant 20 : i32
      %swap3A_734 = arith.index_cast %swap3A_733 : i32 to index
      %swap3A_735 = arith.constant 16 : index
      %swap3A_736 = tpu.vector_load %arg5[%swap3A_734, %swap3A_735] {strides = array<i32>} : memref<24x50xf32, #tpu.memory_space<vmem>>, vector<1x16xf32>,
      %swap3A_737 = vector.shape_cast %swap3A_736 : vector<1x16xf32> to vector<16xf32>
      %swap3A_738 = vector.shape_cast %get3A_732 : vector<16xf32> to vector<1x16xf32>
      tpu.vector_store %arg5[%swap3A_734, %swap3A_735], %swap3A_738 {strides = array<i32>} : memref<24x50xf32, #tpu.memory_space<vmem>>, vector<1x16xf32>,
      %get3A_739 = arith.constant 21 : i32
      %get3A_740 = arith.index_cast %get3A_739 : i32 to index
      %get3A_741 = arith.constant 16 : index
      %get3A_742 = tpu.vector_load %arg4[%get3A_740, %get3A_741] {strides = array<i32>} : memref<24x50xf32, #tpu.memory_space<vmem>>, vector<1x16xf32>,
      %get3A_743 = vector.shape_cast %get3A_742 : vector<1x16xf32> to vector<16xf32>
      %swap3A_744 = arith.constant 21 : i32
      %swap3A_745 = arith.index_cast %swap3A_744 : i32 to index
      %swap3A_746 = arith.constant 16 : index
      %swap3A_747 = tpu.vector_load %arg5[%swap3A_745, %swap3A_746] {strides = array<i32>} : memref<24x50xf32, #tpu.memory_space<vmem>>, vector<1x16xf32>,
      %swap3A_748 = vector.shape_cast %swap3A_747 : vector<1x16xf32> to vector<16xf32>
      %swap3A_749 = vector.shape_cast %get3A_743 : vector<16xf32> to vector<1x16xf32>
      tpu.vector_store %arg5[%swap3A_745, %swap3A_746], %swap3A_749 {strides = array<i32>} : memref<24x50xf32, #tpu.memory_space<vmem>>, vector<1x16xf32>,
      %swap3A_750 = arith.constant 22 : i32
      %swap3A_751 = arith.index_cast %swap3A_750 : i32 to index
      %swap3A_752 = arith.constant 16 : index
      %swap3A_753 = tpu.vector_load %arg5[%swap3A_751, %swap3A_752] {strides = array<i32>} : memref<24x50xf32, #tpu.memory_space<vmem>>, vector<1x16xf32>,
      %swap3A_754 = vector.shape_cast %swap3A_753 : vector<1x16xf32> to vector<16xf32>
      %swap3A_755 = vector.shape_cast %broadcast_in_dim3A_4 : vector<16xf32> to vector<1x16xf32>
      tpu.vector_store %arg5[%swap3A_751, %swap3A_752], %swap3A_755 {strides = array<i32>} : memref<24x50xf32, #tpu.memory_space<vmem>>, vector<1x16xf32>,
      %swap3A_756 = arith.constant 23 : i32
      %swap3A_757 = arith.index_cast %swap3A_756 : i32 to index
      %swap3A_758 = arith.constant 16 : index
      %swap3A_759 = tpu.vector_load %arg5[%swap3A_757, %swap3A_758] {strides = array<i32>} : memref<24x50xf32, #tpu.memory_space<vmem>>, vector<1x16xf32>,
      %swap3A_760 = vector.shape_cast %swap3A_759 : vector<1x16xf32> to vector<16xf32>
      %swap3A_761 = vector.shape_cast %broadcast_in_dim3A_4 : vector<16xf32> to vector<1x16xf32>
      tpu.vector_store %arg5[%swap3A_757, %swap3A_758], %swap3A_761 {strides = array<i32>} : memref<24x50xf32, #tpu.memory_space<vmem>>, vector<1x16xf32>,
      %get3A_762 = arith.constant 0 : i32
      %get3A_763 = arith.index_cast %get3A_762 : i32 to index
      %get3A_764 = arith.constant 32 : index
      %get3A_765 = tpu.vector_load %arg4[%get3A_763, %get3A_764] {strides = array<i32>} : memref<24x50xf32, #tpu.memory_space<vmem>>, vector<1x16xf32>,
      %get3A_766 = vector.shape_cast %get3A_765 : vector<1x16xf32> to vector<16xf32>
      %get3A_767 = arith.constant 1 : i32
      %get3A_768 = arith.index_cast %get3A_767 : i32 to index
      %get3A_769 = arith.constant 32 : index
      %get3A_770 = tpu.vector_load %arg4[%get3A_768, %get3A_769] {strides = array<i32>} : memref<24x50xf32, #tpu.memory_space<vmem>>, vector<1x16xf32>,
      %get3A_771 = vector.shape_cast %get3A_770 : vector<1x16xf32> to vector<16xf32>
      %add3A_772 = arith.addf %get3A_766, %get3A_771 : vector<16xf32>
      %get3A_773 = arith.constant 8 : i32
      %get3A_774 = arith.index_cast %get3A_773 : i32 to index
      %get3A_775 = arith.constant 32 : index
      %get3A_776 = tpu.vector_load %arg4[%get3A_774, %get3A_775] {strides = array<i32>} : memref<24x50xf32, #tpu.memory_space<vmem>>, vector<1x16xf32>,
      %get3A_777 = vector.shape_cast %get3A_776 : vector<1x16xf32> to vector<16xf32>
      %add3A_778 = arith.addf %add3A_772, %get3A_777 : vector<16xf32>
      %swap3A_779 = arith.constant 0 : i32
      %swap3A_780 = arith.index_cast %swap3A_779 : i32 to index
      %swap3A_781 = arith.constant 32 : index
      %swap3A_782 = tpu.vector_load %arg5[%swap3A_780, %swap3A_781] {strides = array<i32>} : memref<24x50xf32, #tpu.memory_space<vmem>>, vector<1x16xf32>,
      %swap3A_783 = vector.shape_cast %swap3A_782 : vector<1x16xf32> to vector<16xf32>
      %swap3A_784 = vector.shape_cast %add3A_778 : vector<16xf32> to vector<1x16xf32>
      tpu.vector_store %arg5[%swap3A_780, %swap3A_781], %swap3A_784 {strides = array<i32>} : memref<24x50xf32, #tpu.memory_space<vmem>>, vector<1x16xf32>,
      %get3A_785 = arith.constant 1 : i32
      %get3A_786 = arith.index_cast %get3A_785 : i32 to index
      %get3A_787 = arith.constant 32 : index
      %get3A_788 = tpu.vector_load %arg4[%get3A_786, %get3A_787] {strides = array<i32>} : memref<24x50xf32, #tpu.memory_space<vmem>>, vector<1x16xf32>,
      %get3A_789 = vector.shape_cast %get3A_788 : vector<1x16xf32> to vector<16xf32>
      %get3A_790 = arith.constant 2 : i32
      %get3A_791 = arith.index_cast %get3A_790 : i32 to index
      %get3A_792 = arith.constant 32 : index
      %get3A_793 = tpu.vector_load %arg4[%get3A_791, %get3A_792] {strides = array<i32>} : memref<24x50xf32, #tpu.memory_space<vmem>>, vector<1x16xf32>,
      %get3A_794 = vector.shape_cast %get3A_793 : vector<1x16xf32> to vector<16xf32>
      %add3A_795 = arith.addf %get3A_789, %get3A_794 : vector<16xf32>
      %swap3A_796 = arith.constant 1 : i32
      %swap3A_797 = arith.index_cast %swap3A_796 : i32 to index
      %swap3A_798 = arith.constant 32 : index
      %swap3A_799 = tpu.vector_load %arg5[%swap3A_797, %swap3A_798] {strides = array<i32>} : memref<24x50xf32, #tpu.memory_space<vmem>>, vector<1x16xf32>,
      %swap3A_800 = vector.shape_cast %swap3A_799 : vector<1x16xf32> to vector<16xf32>
      %swap3A_801 = vector.shape_cast %add3A_795 : vector<16xf32> to vector<1x16xf32>
      tpu.vector_store %arg5[%swap3A_797, %swap3A_798], %swap3A_801 {strides = array<i32>} : memref<24x50xf32, #tpu.memory_space<vmem>>, vector<1x16xf32>,
      %get3A_802 = arith.constant 2 : i32
      %get3A_803 = arith.index_cast %get3A_802 : i32 to index
      %get3A_804 = arith.constant 32 : index
      %get3A_805 = tpu.vector_load %arg4[%get3A_803, %get3A_804] {strides = array<i32>} : memref<24x50xf32, #tpu.memory_space<vmem>>, vector<1x16xf32>,
      %get3A_806 = vector.shape_cast %get3A_805 : vector<1x16xf32> to vector<16xf32>
      %get3A_807 = arith.constant 3 : i32
      %get3A_808 = arith.index_cast %get3A_807 : i32 to index
      %get3A_809 = arith.constant 32 : index
      %get3A_810 = tpu.vector_load %arg4[%get3A_808, %get3A_809] {strides = array<i32>} : memref<24x50xf32, #tpu.memory_space<vmem>>, vector<1x16xf32>,
      %get3A_811 = vector.shape_cast %get3A_810 : vector<1x16xf32> to vector<16xf32>
      %add3A_812 = arith.addf %get3A_806, %get3A_811 : vector<16xf32>
      %swap3A_813 = arith.constant 2 : i32
      %swap3A_814 = arith.index_cast %swap3A_813 : i32 to index
      %swap3A_815 = arith.constant 32 : index
      %swap3A_816 = tpu.vector_load %arg5[%swap3A_814, %swap3A_815] {strides = array<i32>} : memref<24x50xf32, #tpu.memory_space<vmem>>, vector<1x16xf32>,
      %swap3A_817 = vector.shape_cast %swap3A_816 : vector<1x16xf32> to vector<16xf32>
      %swap3A_818 = vector.shape_cast %add3A_812 : vector<16xf32> to vector<1x16xf32>
      tpu.vector_store %arg5[%swap3A_814, %swap3A_815], %swap3A_818 {strides = array<i32>} : memref<24x50xf32, #tpu.memory_space<vmem>>, vector<1x16xf32>,
      %get3A_819 = arith.constant 3 : i32
      %get3A_820 = arith.index_cast %get3A_819 : i32 to index
      %get3A_821 = arith.constant 32 : index
      %get3A_822 = tpu.vector_load %arg4[%get3A_820, %get3A_821] {strides = array<i32>} : memref<24x50xf32, #tpu.memory_space<vmem>>, vector<1x16xf32>,
      %get3A_823 = vector.shape_cast %get3A_822 : vector<1x16xf32> to vector<16xf32>
      %swap3A_824 = arith.constant 3 : i32
      %swap3A_825 = arith.index_cast %swap3A_824 : i32 to index
      %swap3A_826 = arith.constant 32 : index
      %swap3A_827 = tpu.vector_load %arg5[%swap3A_825, %swap3A_826] {strides = array<i32>} : memref<24x50xf32, #tpu.memory_space<vmem>>, vector<1x16xf32>,
      %swap3A_828 = vector.shape_cast %swap3A_827 : vector<1x16xf32> to vector<16xf32>
      %swap3A_829 = vector.shape_cast %get3A_823 : vector<16xf32> to vector<1x16xf32>
      tpu.vector_store %arg5[%swap3A_825, %swap3A_826], %swap3A_829 {strides = array<i32>} : memref<24x50xf32, #tpu.memory_space<vmem>>, vector<1x16xf32>,
      %get3A_830 = arith.constant 4 : i32
      %get3A_831 = arith.index_cast %get3A_830 : i32 to index
      %get3A_832 = arith.constant 32 : index
      %get3A_833 = tpu.vector_load %arg4[%get3A_831, %get3A_832] {strides = array<i32>} : memref<24x50xf32, #tpu.memory_space<vmem>>, vector<1x16xf32>,
      %get3A_834 = vector.shape_cast %get3A_833 : vector<1x16xf32> to vector<16xf32>
      %get3A_835 = arith.constant 5 : i32
      %get3A_836 = arith.index_cast %get3A_835 : i32 to index
      %get3A_837 = arith.constant 32 : index
      %get3A_838 = tpu.vector_load %arg4[%get3A_836, %get3A_837] {strides = array<i32>} : memref<24x50xf32, #tpu.memory_space<vmem>>, vector<1x16xf32>,
      %get3A_839 = vector.shape_cast %get3A_838 : vector<1x16xf32> to vector<16xf32>
      %add3A_840 = arith.addf %get3A_834, %get3A_839 : vector<16xf32>
      %get3A_841 = arith.constant 8 : i32
      %get3A_842 = arith.index_cast %get3A_841 : i32 to index
      %get3A_843 = arith.constant 32 : index
      %get3A_844 = tpu.vector_load %arg4[%get3A_842, %get3A_843] {strides = array<i32>} : memref<24x50xf32, #tpu.memory_space<vmem>>, vector<1x16xf32>,
      %get3A_845 = vector.shape_cast %get3A_844 : vector<1x16xf32> to vector<16xf32>
      %add3A_846 = arith.addf %add3A_840, %get3A_845 : vector<16xf32>
      %swap3A_847 = arith.constant 4 : i32
      %swap3A_848 = arith.index_cast %swap3A_847 : i32 to index
      %swap3A_849 = arith.constant 32 : index
      %swap3A_850 = tpu.vector_load %arg5[%swap3A_848, %swap3A_849] {strides = array<i32>} : memref<24x50xf32, #tpu.memory_space<vmem>>, vector<1x16xf32>,
      %swap3A_851 = vector.shape_cast %swap3A_850 : vector<1x16xf32> to vector<16xf32>
      %swap3A_852 = vector.shape_cast %add3A_846 : vector<16xf32> to vector<1x16xf32>
      tpu.vector_store %arg5[%swap3A_848, %swap3A_849], %swap3A_852 {strides = array<i32>} : memref<24x50xf32, #tpu.memory_space<vmem>>, vector<1x16xf32>,
      %get3A_853 = arith.constant 5 : i32
      %get3A_854 = arith.index_cast %get3A_853 : i32 to index
      %get3A_855 = arith.constant 32 : index
      %get3A_856 = tpu.vector_load %arg4[%get3A_854, %get3A_855] {strides = array<i32>} : memref<24x50xf32, #tpu.memory_space<vmem>>, vector<1x16xf32>,
      %get3A_857 = vector.shape_cast %get3A_856 : vector<1x16xf32> to vector<16xf32>
      %get3A_858 = arith.constant 6 : i32
      %get3A_859 = arith.index_cast %get3A_858 : i32 to index
      %get3A_860 = arith.constant 32 : index
      %get3A_861 = tpu.vector_load %arg4[%get3A_859, %get3A_860] {strides = array<i32>} : memref<24x50xf32, #tpu.memory_space<vmem>>, vector<1x16xf32>,
      %get3A_862 = vector.shape_cast %get3A_861 : vector<1x16xf32> to vector<16xf32>
      %add3A_863 = arith.addf %get3A_857, %get3A_862 : vector<16xf32>
      %swap3A_864 = arith.constant 5 : i32
      %swap3A_865 = arith.index_cast %swap3A_864 : i32 to index
      %swap3A_866 = arith.constant 32 : index
      %swap3A_867 = tpu.vector_load %arg5[%swap3A_865, %swap3A_866] {strides = array<i32>} : memref<24x50xf32, #tpu.memory_space<vmem>>, vector<1x16xf32>,
      %swap3A_868 = vector.shape_cast %swap3A_867 : vector<1x16xf32> to vector<16xf32>
      %swap3A_869 = vector.shape_cast %add3A_863 : vector<16xf32> to vector<1x16xf32>
      tpu.vector_store %arg5[%swap3A_865, %swap3A_866], %swap3A_869 {strides = array<i32>} : memref<24x50xf32, #tpu.memory_space<vmem>>, vector<1x16xf32>,
      %get3A_870 = arith.constant 6 : i32
      %get3A_871 = arith.index_cast %get3A_870 : i32 to index
      %get3A_872 = arith.constant 32 : index
      %get3A_873 = tpu.vector_load %arg4[%get3A_871, %get3A_872] {strides = array<i32>} : memref<24x50xf32, #tpu.memory_space<vmem>>, vector<1x16xf32>,
      %get3A_874 = vector.shape_cast %get3A_873 : vector<1x16xf32> to vector<16xf32>
      %get3A_875 = arith.constant 7 : i32
      %get3A_876 = arith.index_cast %get3A_875 : i32 to index
      %get3A_877 = arith.constant 32 : index
      %get3A_878 = tpu.vector_load %arg4[%get3A_876, %get3A_877] {strides = array<i32>} : memref<24x50xf32, #tpu.memory_space<vmem>>, vector<1x16xf32>,
      %get3A_879 = vector.shape_cast %get3A_878 : vector<1x16xf32> to vector<16xf32>
      %add3A_880 = arith.addf %get3A_874, %get3A_879 : vector<16xf32>
      %swap3A_881 = arith.constant 6 : i32
      %swap3A_882 = arith.index_cast %swap3A_881 : i32 to index
      %swap3A_883 = arith.constant 32 : index
      %swap3A_884 = tpu.vector_load %arg5[%swap3A_882, %swap3A_883] {strides = array<i32>} : memref<24x50xf32, #tpu.memory_space<vmem>>, vector<1x16xf32>,
      %swap3A_885 = vector.shape_cast %swap3A_884 : vector<1x16xf32> to vector<16xf32>
      %swap3A_886 = vector.shape_cast %add3A_880 : vector<16xf32> to vector<1x16xf32>
      tpu.vector_store %arg5[%swap3A_882, %swap3A_883], %swap3A_886 {strides = array<i32>} : memref<24x50xf32, #tpu.memory_space<vmem>>, vector<1x16xf32>,
      %get3A_887 = arith.constant 7 : i32
      %get3A_888 = arith.index_cast %get3A_887 : i32 to index
      %get3A_889 = arith.constant 32 : index
      %get3A_890 = tpu.vector_load %arg4[%get3A_888, %get3A_889] {strides = array<i32>} : memref<24x50xf32, #tpu.memory_space<vmem>>, vector<1x16xf32>,
      %get3A_891 = vector.shape_cast %get3A_890 : vector<1x16xf32> to vector<16xf32>
      %swap3A_892 = arith.constant 7 : i32
      %swap3A_893 = arith.index_cast %swap3A_892 : i32 to index
      %swap3A_894 = arith.constant 32 : index
      %swap3A_895 = tpu.vector_load %arg5[%swap3A_893, %swap3A_894] {strides = array<i32>} : memref<24x50xf32, #tpu.memory_space<vmem>>, vector<1x16xf32>,
      %swap3A_896 = vector.shape_cast %swap3A_895 : vector<1x16xf32> to vector<16xf32>
      %swap3A_897 = vector.shape_cast %get3A_891 : vector<16xf32> to vector<1x16xf32>
      tpu.vector_store %arg5[%swap3A_893, %swap3A_894], %swap3A_897 {strides = array<i32>} : memref<24x50xf32, #tpu.memory_space<vmem>>, vector<1x16xf32>,
      %get3A_898 = arith.constant 8 : i32
      %get3A_899 = arith.index_cast %get3A_898 : i32 to index
      %get3A_900 = arith.constant 32 : index
      %get3A_901 = tpu.vector_load %arg4[%get3A_899, %get3A_900] {strides = array<i32>} : memref<24x50xf32, #tpu.memory_space<vmem>>, vector<1x16xf32>,
      %get3A_902 = vector.shape_cast %get3A_901 : vector<1x16xf32> to vector<16xf32>
      %get3A_903 = arith.constant 9 : i32
      %get3A_904 = arith.index_cast %get3A_903 : i32 to index
      %get3A_905 = arith.constant 32 : index
      %get3A_906 = tpu.vector_load %arg4[%get3A_904, %get3A_905] {strides = array<i32>} : memref<24x50xf32, #tpu.memory_space<vmem>>, vector<1x16xf32>,
      %get3A_907 = vector.shape_cast %get3A_906 : vector<1x16xf32> to vector<16xf32>
      %add3A_908 = arith.addf %get3A_902, %get3A_907 : vector<16xf32>
      %swap3A_909 = arith.constant 8 : i32
      %swap3A_910 = arith.index_cast %swap3A_909 : i32 to index
      %swap3A_911 = arith.constant 32 : index
      %swap3A_912 = tpu.vector_load %arg5[%swap3A_910, %swap3A_911] {strides = array<i32>} : memref<24x50xf32, #tpu.memory_space<vmem>>, vector<1x16xf32>,
      %swap3A_913 = vector.shape_cast %swap3A_912 : vector<1x16xf32> to vector<16xf32>
      %swap3A_914 = vector.shape_cast %add3A_908 : vector<16xf32> to vector<1x16xf32>
      tpu.vector_store %arg5[%swap3A_910, %swap3A_911], %swap3A_914 {strides = array<i32>} : memref<24x50xf32, #tpu.memory_space<vmem>>, vector<1x16xf32>,
      %get3A_915 = arith.constant 9 : i32
      %get3A_916 = arith.index_cast %get3A_915 : i32 to index
      %get3A_917 = arith.constant 32 : index
      %get3A_918 = tpu.vector_load %arg4[%get3A_916, %get3A_917] {strides = array<i32>} : memref<24x50xf32, #tpu.memory_space<vmem>>, vector<1x16xf32>,
      %get3A_919 = vector.shape_cast %get3A_918 : vector<1x16xf32> to vector<16xf32>
      %get3A_920 = arith.constant 10 : i32
      %get3A_921 = arith.index_cast %get3A_920 : i32 to index
      %get3A_922 = arith.constant 32 : index
      %get3A_923 = tpu.vector_load %arg4[%get3A_921, %get3A_922] {strides = array<i32>} : memref<24x50xf32, #tpu.memory_space<vmem>>, vector<1x16xf32>,
      %get3A_924 = vector.shape_cast %get3A_923 : vector<1x16xf32> to vector<16xf32>
      %add3A_925 = arith.addf %get3A_919, %get3A_924 : vector<16xf32>
      %get3A_926 = arith.constant 12 : i32
      %get3A_927 = arith.index_cast %get3A_926 : i32 to index
      %get3A_928 = arith.constant 32 : index
      %get3A_929 = tpu.vector_load %arg4[%get3A_927, %get3A_928] {strides = array<i32>} : memref<24x50xf32, #tpu.memory_space<vmem>>, vector<1x16xf32>,
      %get3A_930 = vector.shape_cast %get3A_929 : vector<1x16xf32> to vector<16xf32>
      %add3A_931 = arith.addf %add3A_925, %get3A_930 : vector<16xf32>
      %get3A_932 = arith.constant 17 : i32
      %get3A_933 = arith.index_cast %get3A_932 : i32 to index
      %get3A_934 = arith.constant 32 : index
      %get3A_935 = tpu.vector_load %arg4[%get3A_933, %get3A_934] {strides = array<i32>} : memref<24x50xf32, #tpu.memory_space<vmem>>, vector<1x16xf32>,
      %get3A_936 = vector.shape_cast %get3A_935 : vector<1x16xf32> to vector<16xf32>
      %add3A_937 = arith.addf %add3A_931, %get3A_936 : vector<16xf32>
      %swap3A_938 = arith.constant 9 : i32
      %swap3A_939 = arith.index_cast %swap3A_938 : i32 to index
      %swap3A_940 = arith.constant 32 : index
      %swap3A_941 = tpu.vector_load %arg5[%swap3A_939, %swap3A_940] {strides = array<i32>} : memref<24x50xf32, #tpu.memory_space<vmem>>, vector<1x16xf32>,
      %swap3A_942 = vector.shape_cast %swap3A_941 : vector<1x16xf32> to vector<16xf32>
      %swap3A_943 = vector.shape_cast %add3A_937 : vector<16xf32> to vector<1x16xf32>
      tpu.vector_store %arg5[%swap3A_939, %swap3A_940], %swap3A_943 {strides = array<i32>} : memref<24x50xf32, #tpu.memory_space<vmem>>, vector<1x16xf32>,
      %get3A_944 = arith.constant 10 : i32
      %get3A_945 = arith.index_cast %get3A_944 : i32 to index
      %get3A_946 = arith.constant 32 : index
      %get3A_947 = tpu.vector_load %arg4[%get3A_945, %get3A_946] {strides = array<i32>} : memref<24x50xf32, #tpu.memory_space<vmem>>, vector<1x16xf32>,
      %get3A_948 = vector.shape_cast %get3A_947 : vector<1x16xf32> to vector<16xf32>
      %get3A_949 = arith.constant 11 : i32
      %get3A_950 = arith.index_cast %get3A_949 : i32 to index
      %get3A_951 = arith.constant 32 : index
      %get3A_952 = tpu.vector_load %arg4[%get3A_950, %get3A_951] {strides = array<i32>} : memref<24x50xf32, #tpu.memory_space<vmem>>, vector<1x16xf32>,
      %get3A_953 = vector.shape_cast %get3A_952 : vector<1x16xf32> to vector<16xf32>
      %add3A_954 = arith.addf %get3A_948, %get3A_953 : vector<16xf32>
      %swap3A_955 = arith.constant 10 : i32
      %swap3A_956 = arith.index_cast %swap3A_955 : i32 to index
      %swap3A_957 = arith.constant 32 : index
      %swap3A_958 = tpu.vector_load %arg5[%swap3A_956, %swap3A_957] {strides = array<i32>} : memref<24x50xf32, #tpu.memory_space<vmem>>, vector<1x16xf32>,
      %swap3A_959 = vector.shape_cast %swap3A_958 : vector<1x16xf32> to vector<16xf32>
      %swap3A_960 = vector.shape_cast %add3A_954 : vector<16xf32> to vector<1x16xf32>
      tpu.vector_store %arg5[%swap3A_956, %swap3A_957], %swap3A_960 {strides = array<i32>} : memref<24x50xf32, #tpu.memory_space<vmem>>, vector<1x16xf32>,
      %get3A_961 = arith.constant 11 : i32
      %get3A_962 = arith.index_cast %get3A_961 : i32 to index
      %get3A_963 = arith.constant 32 : index
      %get3A_964 = tpu.vector_load %arg4[%get3A_962, %get3A_963] {strides = array<i32>} : memref<24x50xf32, #tpu.memory_space<vmem>>, vector<1x16xf32>,
      %get3A_965 = vector.shape_cast %get3A_964 : vector<1x16xf32> to vector<16xf32>
      %swap3A_966 = arith.constant 11 : i32
      %swap3A_967 = arith.index_cast %swap3A_966 : i32 to index
      %swap3A_968 = arith.constant 32 : index
      %swap3A_969 = tpu.vector_load %arg5[%swap3A_967, %swap3A_968] {strides = array<i32>} : memref<24x50xf32, #tpu.memory_space<vmem>>, vector<1x16xf32>,
      %swap3A_970 = vector.shape_cast %swap3A_969 : vector<1x16xf32> to vector<16xf32>
      %swap3A_971 = vector.shape_cast %get3A_965 : vector<16xf32> to vector<1x16xf32>
      tpu.vector_store %arg5[%swap3A_967, %swap3A_968], %swap3A_971 {strides = array<i32>} : memref<24x50xf32, #tpu.memory_space<vmem>>, vector<1x16xf32>,
      %get3A_972 = arith.constant 12 : i32
      %get3A_973 = arith.index_cast %get3A_972 : i32 to index
      %get3A_974 = arith.constant 32 : index
      %get3A_975 = tpu.vector_load %arg4[%get3A_973, %get3A_974] {strides = array<i32>} : memref<24x50xf32, #tpu.memory_space<vmem>>, vector<1x16xf32>,
      %get3A_976 = vector.shape_cast %get3A_975 : vector<1x16xf32> to vector<16xf32>
      %get3A_977 = arith.constant 13 : i32
      %get3A_978 = arith.index_cast %get3A_977 : i32 to index
      %get3A_979 = arith.constant 32 : index
      %get3A_980 = tpu.vector_load %arg4[%get3A_978, %get3A_979] {strides = array<i32>} : memref<24x50xf32, #tpu.memory_space<vmem>>, vector<1x16xf32>,
      %get3A_981 = vector.shape_cast %get3A_980 : vector<1x16xf32> to vector<16xf32>
      %add3A_982 = arith.addf %get3A_976, %get3A_981 : vector<16xf32>
      %swap3A_983 = arith.constant 12 : i32
      %swap3A_984 = arith.index_cast %swap3A_983 : i32 to index
      %swap3A_985 = arith.constant 32 : index
      %swap3A_986 = tpu.vector_load %arg5[%swap3A_984, %swap3A_985] {strides = array<i32>} : memref<24x50xf32, #tpu.memory_space<vmem>>, vector<1x16xf32>,
      %swap3A_987 = vector.shape_cast %swap3A_986 : vector<1x16xf32> to vector<16xf32>
      %swap3A_988 = vector.shape_cast %add3A_982 : vector<16xf32> to vector<1x16xf32>
      tpu.vector_store %arg5[%swap3A_984, %swap3A_985], %swap3A_988 {strides = array<i32>} : memref<24x50xf32, #tpu.memory_space<vmem>>, vector<1x16xf32>,
      %get3A_989 = arith.constant 13 : i32
      %get3A_990 = arith.index_cast %get3A_989 : i32 to index
      %get3A_991 = arith.constant 32 : index
      %get3A_992 = tpu.vector_load %arg4[%get3A_990, %get3A_991] {strides = array<i32>} : memref<24x50xf32, #tpu.memory_space<vmem>>, vector<1x16xf32>,
      %get3A_993 = vector.shape_cast %get3A_992 : vector<1x16xf32> to vector<16xf32>
      %get3A_994 = arith.constant 14 : i32
      %get3A_995 = arith.index_cast %get3A_994 : i32 to index
      %get3A_996 = arith.constant 32 : index
      %get3A_997 = tpu.vector_load %arg4[%get3A_995, %get3A_996] {strides = array<i32>} : memref<24x50xf32, #tpu.memory_space<vmem>>, vector<1x16xf32>,
      %get3A_998 = vector.shape_cast %get3A_997 : vector<1x16xf32> to vector<16xf32>
      %add3A_999 = arith.addf %get3A_993, %get3A_998 : vector<16xf32>
      %swap3A_1000 = arith.constant 13 : i32
      %swap3A_1001 = arith.index_cast %swap3A_1000 : i32 to index
      %swap3A_1002 = arith.constant 32 : index
      %swap3A_1003 = tpu.vector_load %arg5[%swap3A_1001, %swap3A_1002] {strides = array<i32>} : memref<24x50xf32, #tpu.memory_space<vmem>>, vector<1x16xf32>,
      %swap3A_1004 = vector.shape_cast %swap3A_1003 : vector<1x16xf32> to vector<16xf32>
      %swap3A_1005 = vector.shape_cast %add3A_999 : vector<16xf32> to vector<1x16xf32>
      tpu.vector_store %arg5[%swap3A_1001, %swap3A_1002], %swap3A_1005 {strides = array<i32>} : memref<24x50xf32, #tpu.memory_space<vmem>>, vector<1x16xf32>,
      %get3A_1006 = arith.constant 14 : i32
      %get3A_1007 = arith.index_cast %get3A_1006 : i32 to index
      %get3A_1008 = arith.constant 32 : index
      %get3A_1009 = tpu.vector_load %arg4[%get3A_1007, %get3A_1008] {strides = array<i32>} : memref<24x50xf32, #tpu.memory_space<vmem>>, vector<1x16xf32>,
      %get3A_1010 = vector.shape_cast %get3A_1009 : vector<1x16xf32> to vector<16xf32>
      %get3A_1011 = arith.constant 15 : i32
      %get3A_1012 = arith.index_cast %get3A_1011 : i32 to index
      %get3A_1013 = arith.constant 32 : index
      %get3A_1014 = tpu.vector_load %arg4[%get3A_1012, %get3A_1013] {strides = array<i32>} : memref<24x50xf32, #tpu.memory_space<vmem>>, vector<1x16xf32>,
      %get3A_1015 = vector.shape_cast %get3A_1014 : vector<1x16xf32> to vector<16xf32>
      %add3A_1016 = arith.addf %get3A_1010, %get3A_1015 : vector<16xf32>
      %get3A_1017 = arith.constant 16 : i32
      %get3A_1018 = arith.index_cast %get3A_1017 : i32 to index
      %get3A_1019 = arith.constant 32 : index
      %get3A_1020 = tpu.vector_load %arg4[%get3A_1018, %get3A_1019] {strides = array<i32>} : memref<24x50xf32, #tpu.memory_space<vmem>>, vector<1x16xf32>,
      %get3A_1021 = vector.shape_cast %get3A_1020 : vector<1x16xf32> to vector<16xf32>
      %add3A_1022 = arith.addf %add3A_1016, %get3A_1021 : vector<16xf32>
      %swap3A_1023 = arith.constant 14 : i32
      %swap3A_1024 = arith.index_cast %swap3A_1023 : i32 to index
      %swap3A_1025 = arith.constant 32 : index
      %swap3A_1026 = tpu.vector_load %arg5[%swap3A_1024, %swap3A_1025] {strides = array<i32>} : memref<24x50xf32, #tpu.memory_space<vmem>>, vector<1x16xf32>,
      %swap3A_1027 = vector.shape_cast %swap3A_1026 : vector<1x16xf32> to vector<16xf32>
      %swap3A_1028 = vector.shape_cast %add3A_1022 : vector<16xf32> to vector<1x16xf32>
      tpu.vector_store %arg5[%swap3A_1024, %swap3A_1025], %swap3A_1028 {strides = array<i32>} : memref<24x50xf32, #tpu.memory_space<vmem>>, vector<1x16xf32>,
      %get3A_1029 = arith.constant 15 : i32
      %get3A_1030 = arith.index_cast %get3A_1029 : i32 to index
      %get3A_1031 = arith.constant 32 : index
      %get3A_1032 = tpu.vector_load %arg4[%get3A_1030, %get3A_1031] {strides = array<i32>} : memref<24x50xf32, #tpu.memory_space<vmem>>, vector<1x16xf32>,
      %get3A_1033 = vector.shape_cast %get3A_1032 : vector<1x16xf32> to vector<16xf32>
      %swap3A_1034 = arith.constant 15 : i32
      %swap3A_1035 = arith.index_cast %swap3A_1034 : i32 to index
      %swap3A_1036 = arith.constant 32 : index
      %swap3A_1037 = tpu.vector_load %arg5[%swap3A_1035, %swap3A_1036] {strides = array<i32>} : memref<24x50xf32, #tpu.memory_space<vmem>>, vector<1x16xf32>,
      %swap3A_1038 = vector.shape_cast %swap3A_1037 : vector<1x16xf32> to vector<16xf32>
      %swap3A_1039 = vector.shape_cast %get3A_1033 : vector<16xf32> to vector<1x16xf32>
      tpu.vector_store %arg5[%swap3A_1035, %swap3A_1036], %swap3A_1039 {strides = array<i32>} : memref<24x50xf32, #tpu.memory_space<vmem>>, vector<1x16xf32>,
      %get3A_1040 = arith.constant 16 : i32
      %get3A_1041 = arith.index_cast %get3A_1040 : i32 to index
      %get3A_1042 = arith.constant 32 : index
      %get3A_1043 = tpu.vector_load %arg4[%get3A_1041, %get3A_1042] {strides = array<i32>} : memref<24x50xf32, #tpu.memory_space<vmem>>, vector<1x16xf32>,
      %get3A_1044 = vector.shape_cast %get3A_1043 : vector<1x16xf32> to vector<16xf32>
      %swap3A_1045 = arith.constant 16 : i32
      %swap3A_1046 = arith.index_cast %swap3A_1045 : i32 to index
      %swap3A_1047 = arith.constant 32 : index
      %swap3A_1048 = tpu.vector_load %arg5[%swap3A_1046, %swap3A_1047] {strides = array<i32>} : memref<24x50xf32, #tpu.memory_space<vmem>>, vector<1x16xf32>,
      %swap3A_1049 = vector.shape_cast %swap3A_1048 : vector<1x16xf32> to vector<16xf32>
      %swap3A_1050 = vector.shape_cast %get3A_1044 : vector<16xf32> to vector<1x16xf32>
      tpu.vector_store %arg5[%swap3A_1046, %swap3A_1047], %swap3A_1050 {strides = array<i32>} : memref<24x50xf32, #tpu.memory_space<vmem>>, vector<1x16xf32>,
      %get3A_1051 = arith.constant 17 : i32
      %get3A_1052 = arith.index_cast %get3A_1051 : i32 to index
      %get3A_1053 = arith.constant 32 : index
      %get3A_1054 = tpu.vector_load %arg4[%get3A_1052, %get3A_1053] {strides = array<i32>} : memref<24x50xf32, #tpu.memory_space<vmem>>, vector<1x16xf32>,
      %get3A_1055 = vector.shape_cast %get3A_1054 : vector<1x16xf32> to vector<16xf32>
      %get3A_1056 = arith.constant 18 : i32
      %get3A_1057 = arith.index_cast %get3A_1056 : i32 to index
      %get3A_1058 = arith.constant 32 : index
      %get3A_1059 = tpu.vector_load %arg4[%get3A_1057, %get3A_1058] {strides = array<i32>} : memref<24x50xf32, #tpu.memory_space<vmem>>, vector<1x16xf32>,
      %get3A_1060 = vector.shape_cast %get3A_1059 : vector<1x16xf32> to vector<16xf32>
      %add3A_1061 = arith.addf %get3A_1055, %get3A_1060 : vector<16xf32>
      %swap3A_1062 = arith.constant 17 : i32
      %swap3A_1063 = arith.index_cast %swap3A_1062 : i32 to index
      %swap3A_1064 = arith.constant 32 : index
      %swap3A_1065 = tpu.vector_load %arg5[%swap3A_1063, %swap3A_1064] {strides = array<i32>} : memref<24x50xf32, #tpu.memory_space<vmem>>, vector<1x16xf32>,
      %swap3A_1066 = vector.shape_cast %swap3A_1065 : vector<1x16xf32> to vector<16xf32>
      %swap3A_1067 = vector.shape_cast %add3A_1061 : vector<16xf32> to vector<1x16xf32>
      tpu.vector_store %arg5[%swap3A_1063, %swap3A_1064], %swap3A_1067 {strides = array<i32>} : memref<24x50xf32, #tpu.memory_space<vmem>>, vector<1x16xf32>,
      %get3A_1068 = arith.constant 18 : i32
      %get3A_1069 = arith.index_cast %get3A_1068 : i32 to index
      %get3A_1070 = arith.constant 32 : index
      %get3A_1071 = tpu.vector_load %arg4[%get3A_1069, %get3A_1070] {strides = array<i32>} : memref<24x50xf32, #tpu.memory_space<vmem>>, vector<1x16xf32>,
      %get3A_1072 = vector.shape_cast %get3A_1071 : vector<1x16xf32> to vector<16xf32>
      %get3A_1073 = arith.constant 19 : i32
      %get3A_1074 = arith.index_cast %get3A_1073 : i32 to index
      %get3A_1075 = arith.constant 32 : index
      %get3A_1076 = tpu.vector_load %arg4[%get3A_1074, %get3A_1075] {strides = array<i32>} : memref<24x50xf32, #tpu.memory_space<vmem>>, vector<1x16xf32>,
      %get3A_1077 = vector.shape_cast %get3A_1076 : vector<1x16xf32> to vector<16xf32>
      %add3A_1078 = arith.addf %get3A_1072, %get3A_1077 : vector<16xf32>
      %swap3A_1079 = arith.constant 18 : i32
      %swap3A_1080 = arith.index_cast %swap3A_1079 : i32 to index
      %swap3A_1081 = arith.constant 32 : index
      %swap3A_1082 = tpu.vector_load %arg5[%swap3A_1080, %swap3A_1081] {strides = array<i32>} : memref<24x50xf32, #tpu.memory_space<vmem>>, vector<1x16xf32>,
      %swap3A_1083 = vector.shape_cast %swap3A_1082 : vector<1x16xf32> to vector<16xf32>
      %swap3A_1084 = vector.shape_cast %add3A_1078 : vector<16xf32> to vector<1x16xf32>
      tpu.vector_store %arg5[%swap3A_1080, %swap3A_1081], %swap3A_1084 {strides = array<i32>} : memref<24x50xf32, #tpu.memory_space<vmem>>, vector<1x16xf32>,
      %get3A_1085 = arith.constant 19 : i32
      %get3A_1086 = arith.index_cast %get3A_1085 : i32 to index
      %get3A_1087 = arith.constant 32 : index
      %get3A_1088 = tpu.vector_load %arg4[%get3A_1086, %get3A_1087] {strides = array<i32>} : memref<24x50xf32, #tpu.memory_space<vmem>>, vector<1x16xf32>,
      %get3A_1089 = vector.shape_cast %get3A_1088 : vector<1x16xf32> to vector<16xf32>
      %get3A_1090 = arith.constant 20 : i32
      %get3A_1091 = arith.index_cast %get3A_1090 : i32 to index
      %get3A_1092 = arith.constant 32 : index
      %get3A_1093 = tpu.vector_load %arg4[%get3A_1091, %get3A_1092] {strides = array<i32>} : memref<24x50xf32, #tpu.memory_space<vmem>>, vector<1x16xf32>,
      %get3A_1094 = vector.shape_cast %get3A_1093 : vector<1x16xf32> to vector<16xf32>
      %add3A_1095 = arith.addf %get3A_1089, %get3A_1094 : vector<16xf32>
      %get3A_1096 = arith.constant 21 : i32
      %get3A_1097 = arith.index_cast %get3A_1096 : i32 to index
      %get3A_1098 = arith.constant 32 : index
      %get3A_1099 = tpu.vector_load %arg4[%get3A_1097, %get3A_1098] {strides = array<i32>} : memref<24x50xf32, #tpu.memory_space<vmem>>, vector<1x16xf32>,
      %get3A_1100 = vector.shape_cast %get3A_1099 : vector<1x16xf32> to vector<16xf32>
      %add3A_1101 = arith.addf %add3A_1095, %get3A_1100 : vector<16xf32>
      %swap3A_1102 = arith.constant 19 : i32
      %swap3A_1103 = arith.index_cast %swap3A_1102 : i32 to index
      %swap3A_1104 = arith.constant 32 : index
      %swap3A_1105 = tpu.vector_load %arg5[%swap3A_1103, %swap3A_1104] {strides = array<i32>} : memref<24x50xf32, #tpu.memory_space<vmem>>, vector<1x16xf32>,
      %swap3A_1106 = vector.shape_cast %swap3A_1105 : vector<1x16xf32> to vector<16xf32>
      %swap3A_1107 = vector.shape_cast %add3A_1101 : vector<16xf32> to vector<1x16xf32>
      tpu.vector_store %arg5[%swap3A_1103, %swap3A_1104], %swap3A_1107 {strides = array<i32>} : memref<24x50xf32, #tpu.memory_space<vmem>>, vector<1x16xf32>,
      %get3A_1108 = arith.constant 20 : i32
      %get3A_1109 = arith.index_cast %get3A_1108 : i32 to index
      %get3A_1110 = arith.constant 32 : index
      %get3A_1111 = tpu.vector_load %arg4[%get3A_1109, %get3A_1110] {strides = array<i32>} : memref<24x50xf32, #tpu.memory_space<vmem>>, vector<1x16xf32>,
      %get3A_1112 = vector.shape_cast %get3A_1111 : vector<1x16xf32> to vector<16xf32>
      %swap3A_1113 = arith.constant 20 : i32
      %swap3A_1114 = arith.index_cast %swap3A_1113 : i32 to index
      %swap3A_1115 = arith.constant 32 : index
      %swap3A_1116 = tpu.vector_load %arg5[%swap3A_1114, %swap3A_1115] {strides = array<i32>} : memref<24x50xf32, #tpu.memory_space<vmem>>, vector<1x16xf32>,
      %swap3A_1117 = vector.shape_cast %swap3A_1116 : vector<1x16xf32> to vector<16xf32>
      %swap3A_1118 = vector.shape_cast %get3A_1112 : vector<16xf32> to vector<1x16xf32>
      tpu.vector_store %arg5[%swap3A_1114, %swap3A_1115], %swap3A_1118 {strides = array<i32>} : memref<24x50xf32, #tpu.memory_space<vmem>>, vector<1x16xf32>,
      %get3A_1119 = arith.constant 21 : i32
      %get3A_1120 = arith.index_cast %get3A_1119 : i32 to index
      %get3A_1121 = arith.constant 32 : index
      %get3A_1122 = tpu.vector_load %arg4[%get3A_1120, %get3A_1121] {strides = array<i32>} : memref<24x50xf32, #tpu.memory_space<vmem>>, vector<1x16xf32>,
      %get3A_1123 = vector.shape_cast %get3A_1122 : vector<1x16xf32> to vector<16xf32>
      %swap3A_1124 = arith.constant 21 : i32
      %swap3A_1125 = arith.index_cast %swap3A_1124 : i32 to index
      %swap3A_1126 = arith.constant 32 : index
      %swap3A_1127 = tpu.vector_load %arg5[%swap3A_1125, %swap3A_1126] {strides = array<i32>} : memref<24x50xf32, #tpu.memory_space<vmem>>, vector<1x16xf32>,
      %swap3A_1128 = vector.shape_cast %swap3A_1127 : vector<1x16xf32> to vector<16xf32>
      %swap3A_1129 = vector.shape_cast %get3A_1123 : vector<16xf32> to vector<1x16xf32>
      tpu.vector_store %arg5[%swap3A_1125, %swap3A_1126], %swap3A_1129 {strides = array<i32>} : memref<24x50xf32, #tpu.memory_space<vmem>>, vector<1x16xf32>,
      %swap3A_1130 = arith.constant 22 : i32
      %swap3A_1131 = arith.index_cast %swap3A_1130 : i32 to index
      %swap3A_1132 = arith.constant 32 : index
      %swap3A_1133 = tpu.vector_load %arg5[%swap3A_1131, %swap3A_1132] {strides = array<i32>} : memref<24x50xf32, #tpu.memory_space<vmem>>, vector<1x16xf32>,
      %swap3A_1134 = vector.shape_cast %swap3A_1133 : vector<1x16xf32> to vector<16xf32>
      %swap3A_1135 = vector.shape_cast %broadcast_in_dim3A_4 : vector<16xf32> to vector<1x16xf32>
      tpu.vector_store %arg5[%swap3A_1131, %swap3A_1132], %swap3A_1135 {strides = array<i32>} : memref<24x50xf32, #tpu.memory_space<vmem>>, vector<1x16xf32>,
      %swap3A_1136 = arith.constant 23 : i32
      %swap3A_1137 = arith.index_cast %swap3A_1136 : i32 to index
      %swap3A_1138 = arith.constant 32 : index
      %swap3A_1139 = tpu.vector_load %arg5[%swap3A_1137, %swap3A_1138] {strides = array<i32>} : memref<24x50xf32, #tpu.memory_space<vmem>>, vector<1x16xf32>,
      %swap3A_1140 = vector.shape_cast %swap3A_1139 : vector<1x16xf32> to vector<16xf32>
      %swap3A_1141 = vector.shape_cast %broadcast_in_dim3A_4 : vector<16xf32> to vector<1x16xf32>
      tpu.vector_store %arg5[%swap3A_1137, %swap3A_1138], %swap3A_1141 {strides = array<i32>} : memref<24x50xf32, #tpu.memory_space<vmem>>, vector<1x16xf32>,
      %get3A_1142 = arith.constant 0 : i32
      %get3A_1143 = arith.index_cast %get3A_1142 : i32 to index
      %get3A_1144 = arith.constant 34 : index
      %get3A_1145 = tpu.vector_load %arg4[%get3A_1143, %get3A_1144] {strides = array<i32>} : memref<24x50xf32, #tpu.memory_space<vmem>>, vector<1x16xf32>,
      %get3A_1146 = vector.shape_cast %get3A_1145 : vector<1x16xf32> to vector<16xf32>
      %get3A_1147 = arith.constant 1 : i32
      %get3A_1148 = arith.index_cast %get3A_1147 : i32 to index
      %get3A_1149 = arith.constant 34 : index
      %get3A_1150 = tpu.vector_load %arg4[%get3A_1148, %get3A_1149] {strides = array<i32>} : memref<24x50xf32, #tpu.memory_space<vmem>>, vector<1x16xf32>,
      %get3A_1151 = vector.shape_cast %get3A_1150 : vector<1x16xf32> to vector<16xf32>
      %add3A_1152 = arith.addf %get3A_1146, %get3A_1151 : vector<16xf32>
      %get3A_1153 = arith.constant 8 : i32
      %get3A_1154 = arith.index_cast %get3A_1153 : i32 to index
      %get3A_1155 = arith.constant 34 : index
      %get3A_1156 = tpu.vector_load %arg4[%get3A_1154, %get3A_1155] {strides = array<i32>} : memref<24x50xf32, #tpu.memory_space<vmem>>, vector<1x16xf32>,
      %get3A_1157 = vector.shape_cast %get3A_1156 : vector<1x16xf32> to vector<16xf32>
      %add3A_1158 = arith.addf %add3A_1152, %get3A_1157 : vector<16xf32>
      %swap3A_1159 = arith.constant 0 : i32
      %swap3A_1160 = arith.index_cast %swap3A_1159 : i32 to index
      %swap3A_1161 = arith.constant 34 : index
      %swap3A_1162 = tpu.vector_load %arg5[%swap3A_1160, %swap3A_1161] {strides = array<i32>} : memref<24x50xf32, #tpu.memory_space<vmem>>, vector<1x16xf32>,
      %swap3A_1163 = vector.shape_cast %swap3A_1162 : vector<1x16xf32> to vector<16xf32>
      %swap3A_1164 = vector.shape_cast %add3A_1158 : vector<16xf32> to vector<1x16xf32>
      tpu.vector_store %arg5[%swap3A_1160, %swap3A_1161], %swap3A_1164 {strides = array<i32>} : memref<24x50xf32, #tpu.memory_space<vmem>>, vector<1x16xf32>,
      %get3A_1165 = arith.constant 1 : i32
      %get3A_1166 = arith.index_cast %get3A_1165 : i32 to index
      %get3A_1167 = arith.constant 34 : index
      %get3A_1168 = tpu.vector_load %arg4[%get3A_1166, %get3A_1167] {strides = array<i32>} : memref<24x50xf32, #tpu.memory_space<vmem>>, vector<1x16xf32>,
      %get3A_1169 = vector.shape_cast %get3A_1168 : vector<1x16xf32> to vector<16xf32>
      %get3A_1170 = arith.constant 2 : i32
      %get3A_1171 = arith.index_cast %get3A_1170 : i32 to index
      %get3A_1172 = arith.constant 34 : index
      %get3A_1173 = tpu.vector_load %arg4[%get3A_1171, %get3A_1172] {strides = array<i32>} : memref<24x50xf32, #tpu.memory_space<vmem>>, vector<1x16xf32>,
      %get3A_1174 = vector.shape_cast %get3A_1173 : vector<1x16xf32> to vector<16xf32>
      %add3A_1175 = arith.addf %get3A_1169, %get3A_1174 : vector<16xf32>
      %swap3A_1176 = arith.constant 1 : i32
      %swap3A_1177 = arith.index_cast %swap3A_1176 : i32 to index
      %swap3A_1178 = arith.constant 34 : index
      %swap3A_1179 = tpu.vector_load %arg5[%swap3A_1177, %swap3A_1178] {strides = array<i32>} : memref<24x50xf32, #tpu.memory_space<vmem>>, vector<1x16xf32>,
      %swap3A_1180 = vector.shape_cast %swap3A_1179 : vector<1x16xf32> to vector<16xf32>
      %swap3A_1181 = vector.shape_cast %add3A_1175 : vector<16xf32> to vector<1x16xf32>
      tpu.vector_store %arg5[%swap3A_1177, %swap3A_1178], %swap3A_1181 {strides = array<i32>} : memref<24x50xf32, #tpu.memory_space<vmem>>, vector<1x16xf32>,
      %get3A_1182 = arith.constant 2 : i32
      %get3A_1183 = arith.index_cast %get3A_1182 : i32 to index
      %get3A_1184 = arith.constant 34 : index
      %get3A_1185 = tpu.vector_load %arg4[%get3A_1183, %get3A_1184] {strides = array<i32>} : memref<24x50xf32, #tpu.memory_space<vmem>>, vector<1x16xf32>,
      %get3A_1186 = vector.shape_cast %get3A_1185 : vector<1x16xf32> to vector<16xf32>
      %get3A_1187 = arith.constant 3 : i32
      %get3A_1188 = arith.index_cast %get3A_1187 : i32 to index
      %get3A_1189 = arith.constant 34 : index
      %get3A_1190 = tpu.vector_load %arg4[%get3A_1188, %get3A_1189] {strides = array<i32>} : memref<24x50xf32, #tpu.memory_space<vmem>>, vector<1x16xf32>,
      %get3A_1191 = vector.shape_cast %get3A_1190 : vector<1x16xf32> to vector<16xf32>
      %add3A_1192 = arith.addf %get3A_1186, %get3A_1191 : vector<16xf32>
      %swap3A_1193 = arith.constant 2 : i32
      %swap3A_1194 = arith.index_cast %swap3A_1193 : i32 to index
      %swap3A_1195 = arith.constant 34 : index
      %swap3A_1196 = tpu.vector_load %arg5[%swap3A_1194, %swap3A_1195] {strides = array<i32>} : memref<24x50xf32, #tpu.memory_space<vmem>>, vector<1x16xf32>,
      %swap3A_1197 = vector.shape_cast %swap3A_1196 : vector<1x16xf32> to vector<16xf32>
      %swap3A_1198 = vector.shape_cast %add3A_1192 : vector<16xf32> to vector<1x16xf32>
      tpu.vector_store %arg5[%swap3A_1194, %swap3A_1195], %swap3A_1198 {strides = array<i32>} : memref<24x50xf32, #tpu.memory_space<vmem>>, vector<1x16xf32>,
      %get3A_1199 = arith.constant 3 : i32
      %get3A_1200 = arith.index_cast %get3A_1199 : i32 to index
      %get3A_1201 = arith.constant 34 : index
      %get3A_1202 = tpu.vector_load %arg4[%get3A_1200, %get3A_1201] {strides = array<i32>} : memref<24x50xf32, #tpu.memory_space<vmem>>, vector<1x16xf32>,
      %get3A_1203 = vector.shape_cast %get3A_1202 : vector<1x16xf32> to vector<16xf32>
      %swap3A_1204 = arith.constant 3 : i32
      %swap3A_1205 = arith.index_cast %swap3A_1204 : i32 to index
      %swap3A_1206 = arith.constant 34 : index
      %swap3A_1207 = tpu.vector_load %arg5[%swap3A_1205, %swap3A_1206] {strides = array<i32>} : memref<24x50xf32, #tpu.memory_space<vmem>>, vector<1x16xf32>,
      %swap3A_1208 = vector.shape_cast %swap3A_1207 : vector<1x16xf32> to vector<16xf32>
      %swap3A_1209 = vector.shape_cast %get3A_1203 : vector<16xf32> to vector<1x16xf32>
      tpu.vector_store %arg5[%swap3A_1205, %swap3A_1206], %swap3A_1209 {strides = array<i32>} : memref<24x50xf32, #tpu.memory_space<vmem>>, vector<1x16xf32>,
      %get3A_1210 = arith.constant 4 : i32
      %get3A_1211 = arith.index_cast %get3A_1210 : i32 to index
      %get3A_1212 = arith.constant 34 : index
      %get3A_1213 = tpu.vector_load %arg4[%get3A_1211, %get3A_1212] {strides = array<i32>} : memref<24x50xf32, #tpu.memory_space<vmem>>, vector<1x16xf32>,
      %get3A_1214 = vector.shape_cast %get3A_1213 : vector<1x16xf32> to vector<16xf32>
      %get3A_1215 = arith.constant 5 : i32
      %get3A_1216 = arith.index_cast %get3A_1215 : i32 to index
      %get3A_1217 = arith.constant 34 : index
      %get3A_1218 = tpu.vector_load %arg4[%get3A_1216, %get3A_1217] {strides = array<i32>} : memref<24x50xf32, #tpu.memory_space<vmem>>, vector<1x16xf32>,
      %get3A_1219 = vector.shape_cast %get3A_1218 : vector<1x16xf32> to vector<16xf32>
      %add3A_1220 = arith.addf %get3A_1214, %get3A_1219 : vector<16xf32>
      %get3A_1221 = arith.constant 8 : i32
      %get3A_1222 = arith.index_cast %get3A_1221 : i32 to index
      %get3A_1223 = arith.constant 34 : index
      %get3A_1224 = tpu.vector_load %arg4[%get3A_1222, %get3A_1223] {strides = array<i32>} : memref<24x50xf32, #tpu.memory_space<vmem>>, vector<1x16xf32>,
      %get3A_1225 = vector.shape_cast %get3A_1224 : vector<1x16xf32> to vector<16xf32>
      %add3A_1226 = arith.addf %add3A_1220, %get3A_1225 : vector<16xf32>
      %swap3A_1227 = arith.constant 4 : i32
      %swap3A_1228 = arith.index_cast %swap3A_1227 : i32 to index
      %swap3A_1229 = arith.constant 34 : index
      %swap3A_1230 = tpu.vector_load %arg5[%swap3A_1228, %swap3A_1229] {strides = array<i32>} : memref<24x50xf32, #tpu.memory_space<vmem>>, vector<1x16xf32>,
      %swap3A_1231 = vector.shape_cast %swap3A_1230 : vector<1x16xf32> to vector<16xf32>
      %swap3A_1232 = vector.shape_cast %add3A_1226 : vector<16xf32> to vector<1x16xf32>
      tpu.vector_store %arg5[%swap3A_1228, %swap3A_1229], %swap3A_1232 {strides = array<i32>} : memref<24x50xf32, #tpu.memory_space<vmem>>, vector<1x16xf32>,
      %get3A_1233 = arith.constant 5 : i32
      %get3A_1234 = arith.index_cast %get3A_1233 : i32 to index
      %get3A_1235 = arith.constant 34 : index
      %get3A_1236 = tpu.vector_load %arg4[%get3A_1234, %get3A_1235] {strides = array<i32>} : memref<24x50xf32, #tpu.memory_space<vmem>>, vector<1x16xf32>,
      %get3A_1237 = vector.shape_cast %get3A_1236 : vector<1x16xf32> to vector<16xf32>
      %get3A_1238 = arith.constant 6 : i32
      %get3A_1239 = arith.index_cast %get3A_1238 : i32 to index
      %get3A_1240 = arith.constant 34 : index
      %get3A_1241 = tpu.vector_load %arg4[%get3A_1239, %get3A_1240] {strides = array<i32>} : memref<24x50xf32, #tpu.memory_space<vmem>>, vector<1x16xf32>,
      %get3A_1242 = vector.shape_cast %get3A_1241 : vector<1x16xf32> to vector<16xf32>
      %add3A_1243 = arith.addf %get3A_1237, %get3A_1242 : vector<16xf32>
      %swap3A_1244 = arith.constant 5 : i32
      %swap3A_1245 = arith.index_cast %swap3A_1244 : i32 to index
      %swap3A_1246 = arith.constant 34 : index
      %swap3A_1247 = tpu.vector_load %arg5[%swap3A_1245, %swap3A_1246] {strides = array<i32>} : memref<24x50xf32, #tpu.memory_space<vmem>>, vector<1x16xf32>,
      %swap3A_1248 = vector.shape_cast %swap3A_1247 : vector<1x16xf32> to vector<16xf32>
      %swap3A_1249 = vector.shape_cast %add3A_1243 : vector<16xf32> to vector<1x16xf32>
      tpu.vector_store %arg5[%swap3A_1245, %swap3A_1246], %swap3A_1249 {strides = array<i32>} : memref<24x50xf32, #tpu.memory_space<vmem>>, vector<1x16xf32>,
      %get3A_1250 = arith.constant 6 : i32
      %get3A_1251 = arith.index_cast %get3A_1250 : i32 to index
      %get3A_1252 = arith.constant 34 : index
      %get3A_1253 = tpu.vector_load %arg4[%get3A_1251, %get3A_1252] {strides = array<i32>} : memref<24x50xf32, #tpu.memory_space<vmem>>, vector<1x16xf32>,
      %get3A_1254 = vector.shape_cast %get3A_1253 : vector<1x16xf32> to vector<16xf32>
      %get3A_1255 = arith.constant 7 : i32
      %get3A_1256 = arith.index_cast %get3A_1255 : i32 to index
      %get3A_1257 = arith.constant 34 : index
      %get3A_1258 = tpu.vector_load %arg4[%get3A_1256, %get3A_1257] {strides = array<i32>} : memref<24x50xf32, #tpu.memory_space<vmem>>, vector<1x16xf32>,
      %get3A_1259 = vector.shape_cast %get3A_1258 : vector<1x16xf32> to vector<16xf32>
      %add3A_1260 = arith.addf %get3A_1254, %get3A_1259 : vector<16xf32>
      %swap3A_1261 = arith.constant 6 : i32
      %swap3A_1262 = arith.index_cast %swap3A_1261 : i32 to index
      %swap3A_1263 = arith.constant 34 : index
      %swap3A_1264 = tpu.vector_load %arg5[%swap3A_1262, %swap3A_1263] {strides = array<i32>} : memref<24x50xf32, #tpu.memory_space<vmem>>, vector<1x16xf32>,
      %swap3A_1265 = vector.shape_cast %swap3A_1264 : vector<1x16xf32> to vector<16xf32>
      %swap3A_1266 = vector.shape_cast %add3A_1260 : vector<16xf32> to vector<1x16xf32>
      tpu.vector_store %arg5[%swap3A_1262, %swap3A_1263], %swap3A_1266 {strides = array<i32>} : memref<24x50xf32, #tpu.memory_space<vmem>>, vector<1x16xf32>,
      %get3A_1267 = arith.constant 7 : i32
      %get3A_1268 = arith.index_cast %get3A_1267 : i32 to index
      %get3A_1269 = arith.constant 34 : index
      %get3A_1270 = tpu.vector_load %arg4[%get3A_1268, %get3A_1269] {strides = array<i32>} : memref<24x50xf32, #tpu.memory_space<vmem>>, vector<1x16xf32>,
      %get3A_1271 = vector.shape_cast %get3A_1270 : vector<1x16xf32> to vector<16xf32>
      %swap3A_1272 = arith.constant 7 : i32
      %swap3A_1273 = arith.index_cast %swap3A_1272 : i32 to index
      %swap3A_1274 = arith.constant 34 : index
      %swap3A_1275 = tpu.vector_load %arg5[%swap3A_1273, %swap3A_1274] {strides = array<i32>} : memref<24x50xf32, #tpu.memory_space<vmem>>, vector<1x16xf32>,
      %swap3A_1276 = vector.shape_cast %swap3A_1275 : vector<1x16xf32> to vector<16xf32>
      %swap3A_1277 = vector.shape_cast %get3A_1271 : vector<16xf32> to vector<1x16xf32>
      tpu.vector_store %arg5[%swap3A_1273, %swap3A_1274], %swap3A_1277 {strides = array<i32>} : memref<24x50xf32, #tpu.memory_space<vmem>>, vector<1x16xf32>,
      %get3A_1278 = arith.constant 8 : i32
      %get3A_1279 = arith.index_cast %get3A_1278 : i32 to index
      %get3A_1280 = arith.constant 34 : index
      %get3A_1281 = tpu.vector_load %arg4[%get3A_1279, %get3A_1280] {strides = array<i32>} : memref<24x50xf32, #tpu.memory_space<vmem>>, vector<1x16xf32>,
      %get3A_1282 = vector.shape_cast %get3A_1281 : vector<1x16xf32> to vector<16xf32>
      %get3A_1283 = arith.constant 9 : i32
      %get3A_1284 = arith.index_cast %get3A_1283 : i32 to index
      %get3A_1285 = arith.constant 34 : index
      %get3A_1286 = tpu.vector_load %arg4[%get3A_1284, %get3A_1285] {strides = array<i32>} : memref<24x50xf32, #tpu.memory_space<vmem>>, vector<1x16xf32>,
      %get3A_1287 = vector.shape_cast %get3A_1286 : vector<1x16xf32> to vector<16xf32>
      %add3A_1288 = arith.addf %get3A_1282, %get3A_1287 : vector<16xf32>
      %swap3A_1289 = arith.constant 8 : i32
      %swap3A_1290 = arith.index_cast %swap3A_1289 : i32 to index
      %swap3A_1291 = arith.constant 34 : index
      %swap3A_1292 = tpu.vector_load %arg5[%swap3A_1290, %swap3A_1291] {strides = array<i32>} : memref<24x50xf32, #tpu.memory_space<vmem>>, vector<1x16xf32>,
      %swap3A_1293 = vector.shape_cast %swap3A_1292 : vector<1x16xf32> to vector<16xf32>
      %swap3A_1294 = vector.shape_cast %add3A_1288 : vector<16xf32> to vector<1x16xf32>
      tpu.vector_store %arg5[%swap3A_1290, %swap3A_1291], %swap3A_1294 {strides = array<i32>} : memref<24x50xf32, #tpu.memory_space<vmem>>, vector<1x16xf32>,
      %get3A_1295 = arith.constant 9 : i32
      %get3A_1296 = arith.index_cast %get3A_1295 : i32 to index
      %get3A_1297 = arith.constant 34 : index
      %get3A_1298 = tpu.vector_load %arg4[%get3A_1296, %get3A_1297] {strides = array<i32>} : memref<24x50xf32, #tpu.memory_space<vmem>>, vector<1x16xf32>,
      %get3A_1299 = vector.shape_cast %get3A_1298 : vector<1x16xf32> to vector<16xf32>
      %get3A_1300 = arith.constant 10 : i32
      %get3A_1301 = arith.index_cast %get3A_1300 : i32 to index
      %get3A_1302 = arith.constant 34 : index
      %get3A_1303 = tpu.vector_load %arg4[%get3A_1301, %get3A_1302] {strides = array<i32>} : memref<24x50xf32, #tpu.memory_space<vmem>>, vector<1x16xf32>,
      %get3A_1304 = vector.shape_cast %get3A_1303 : vector<1x16xf32> to vector<16xf32>
      %add3A_1305 = arith.addf %get3A_1299, %get3A_1304 : vector<16xf32>
      %get3A_1306 = arith.constant 12 : i32
      %get3A_1307 = arith.index_cast %get3A_1306 : i32 to index
      %get3A_1308 = arith.constant 34 : index
      %get3A_1309 = tpu.vector_load %arg4[%get3A_1307, %get3A_1308] {strides = array<i32>} : memref<24x50xf32, #tpu.memory_space<vmem>>, vector<1x16xf32>,
      %get3A_1310 = vector.shape_cast %get3A_1309 : vector<1x16xf32> to vector<16xf32>
      %add3A_1311 = arith.addf %add3A_1305, %get3A_1310 : vector<16xf32>
      %get3A_1312 = arith.constant 17 : i32
      %get3A_1313 = arith.index_cast %get3A_1312 : i32 to index
      %get3A_1314 = arith.constant 34 : index
      %get3A_1315 = tpu.vector_load %arg4[%get3A_1313, %get3A_1314] {strides = array<i32>} : memref<24x50xf32, #tpu.memory_space<vmem>>, vector<1x16xf32>,
      %get3A_1316 = vector.shape_cast %get3A_1315 : vector<1x16xf32> to vector<16xf32>
      %add3A_1317 = arith.addf %add3A_1311, %get3A_1316 : vector<16xf32>
      %swap3A_1318 = arith.constant 9 : i32
      %swap3A_1319 = arith.index_cast %swap3A_1318 : i32 to index
      %swap3A_1320 = arith.constant 34 : index
      %swap3A_1321 = tpu.vector_load %arg5[%swap3A_1319, %swap3A_1320] {strides = array<i32>} : memref<24x50xf32, #tpu.memory_space<vmem>>, vector<1x16xf32>,
      %swap3A_1322 = vector.shape_cast %swap3A_1321 : vector<1x16xf32> to vector<16xf32>
      %swap3A_1323 = vector.shape_cast %add3A_1317 : vector<16xf32> to vector<1x16xf32>
      tpu.vector_store %arg5[%swap3A_1319, %swap3A_1320], %swap3A_1323 {strides = array<i32>} : memref<24x50xf32, #tpu.memory_space<vmem>>, vector<1x16xf32>,
      %get3A_1324 = arith.constant 10 : i32
      %get3A_1325 = arith.index_cast %get3A_1324 : i32 to index
      %get3A_1326 = arith.constant 34 : index
      %get3A_1327 = tpu.vector_load %arg4[%get3A_1325, %get3A_1326] {strides = array<i32>} : memref<24x50xf32, #tpu.memory_space<vmem>>, vector<1x16xf32>,
      %get3A_1328 = vector.shape_cast %get3A_1327 : vector<1x16xf32> to vector<16xf32>
      %get3A_1329 = arith.constant 11 : i32
      %get3A_1330 = arith.index_cast %get3A_1329 : i32 to index
      %get3A_1331 = arith.constant 34 : index
      %get3A_1332 = tpu.vector_load %arg4[%get3A_1330, %get3A_1331] {strides = array<i32>} : memref<24x50xf32, #tpu.memory_space<vmem>>, vector<1x16xf32>,
      %get3A_1333 = vector.shape_cast %get3A_1332 : vector<1x16xf32> to vector<16xf32>
      %add3A_1334 = arith.addf %get3A_1328, %get3A_1333 : vector<16xf32>
      %swap3A_1335 = arith.constant 10 : i32
      %swap3A_1336 = arith.index_cast %swap3A_1335 : i32 to index
      %swap3A_1337 = arith.constant 34 : index
      %swap3A_1338 = tpu.vector_load %arg5[%swap3A_1336, %swap3A_1337] {strides = array<i32>} : memref<24x50xf32, #tpu.memory_space<vmem>>, vector<1x16xf32>,
      %swap3A_1339 = vector.shape_cast %swap3A_1338 : vector<1x16xf32> to vector<16xf32>
      %swap3A_1340 = vector.shape_cast %add3A_1334 : vector<16xf32> to vector<1x16xf32>
      tpu.vector_store %arg5[%swap3A_1336, %swap3A_1337], %swap3A_1340 {strides = array<i32>} : memref<24x50xf32, #tpu.memory_space<vmem>>, vector<1x16xf32>,
      %get3A_1341 = arith.constant 11 : i32
      %get3A_1342 = arith.index_cast %get3A_1341 : i32 to index
      %get3A_1343 = arith.constant 34 : index
      %get3A_1344 = tpu.vector_load %arg4[%get3A_1342, %get3A_1343] {strides = array<i32>} : memref<24x50xf32, #tpu.memory_space<vmem>>, vector<1x16xf32>,
      %get3A_1345 = vector.shape_cast %get3A_1344 : vector<1x16xf32> to vector<16xf32>
      %swap3A_1346 = arith.constant 11 : i32
      %swap3A_1347 = arith.index_cast %swap3A_1346 : i32 to index
      %swap3A_1348 = arith.constant 34 : index
      %swap3A_1349 = tpu.vector_load %arg5[%swap3A_1347, %swap3A_1348] {strides = array<i32>} : memref<24x50xf32, #tpu.memory_space<vmem>>, vector<1x16xf32>,
      %swap3A_1350 = vector.shape_cast %swap3A_1349 : vector<1x16xf32> to vector<16xf32>
      %swap3A_1351 = vector.shape_cast %get3A_1345 : vector<16xf32> to vector<1x16xf32>
      tpu.vector_store %arg5[%swap3A_1347, %swap3A_1348], %swap3A_1351 {strides = array<i32>} : memref<24x50xf32, #tpu.memory_space<vmem>>, vector<1x16xf32>,
      %get3A_1352 = arith.constant 12 : i32
      %get3A_1353 = arith.index_cast %get3A_1352 : i32 to index
      %get3A_1354 = arith.constant 34 : index
      %get3A_1355 = tpu.vector_load %arg4[%get3A_1353, %get3A_1354] {strides = array<i32>} : memref<24x50xf32, #tpu.memory_space<vmem>>, vector<1x16xf32>,
      %get3A_1356 = vector.shape_cast %get3A_1355 : vector<1x16xf32> to vector<16xf32>
      %get3A_1357 = arith.constant 13 : i32
      %get3A_1358 = arith.index_cast %get3A_1357 : i32 to index
      %get3A_1359 = arith.constant 34 : index
      %get3A_1360 = tpu.vector_load %arg4[%get3A_1358, %get3A_1359] {strides = array<i32>} : memref<24x50xf32, #tpu.memory_space<vmem>>, vector<1x16xf32>,
      %get3A_1361 = vector.shape_cast %get3A_1360 : vector<1x16xf32> to vector<16xf32>
      %add3A_1362 = arith.addf %get3A_1356, %get3A_1361 : vector<16xf32>
      %swap3A_1363 = arith.constant 12 : i32
      %swap3A_1364 = arith.index_cast %swap3A_1363 : i32 to index
      %swap3A_1365 = arith.constant 34 : index
      %swap3A_1366 = tpu.vector_load %arg5[%swap3A_1364, %swap3A_1365] {strides = array<i32>} : memref<24x50xf32, #tpu.memory_space<vmem>>, vector<1x16xf32>,
      %swap3A_1367 = vector.shape_cast %swap3A_1366 : vector<1x16xf32> to vector<16xf32>
      %swap3A_1368 = vector.shape_cast %add3A_1362 : vector<16xf32> to vector<1x16xf32>
      tpu.vector_store %arg5[%swap3A_1364, %swap3A_1365], %swap3A_1368 {strides = array<i32>} : memref<24x50xf32, #tpu.memory_space<vmem>>, vector<1x16xf32>,
      %get3A_1369 = arith.constant 13 : i32
      %get3A_1370 = arith.index_cast %get3A_1369 : i32 to index
      %get3A_1371 = arith.constant 34 : index
      %get3A_1372 = tpu.vector_load %arg4[%get3A_1370, %get3A_1371] {strides = array<i32>} : memref<24x50xf32, #tpu.memory_space<vmem>>, vector<1x16xf32>,
      %get3A_1373 = vector.shape_cast %get3A_1372 : vector<1x16xf32> to vector<16xf32>
      %get3A_1374 = arith.constant 14 : i32
      %get3A_1375 = arith.index_cast %get3A_1374 : i32 to index
      %get3A_1376 = arith.constant 34 : index
      %get3A_1377 = tpu.vector_load %arg4[%get3A_1375, %get3A_1376] {strides = array<i32>} : memref<24x50xf32, #tpu.memory_space<vmem>>, vector<1x16xf32>,
      %get3A_1378 = vector.shape_cast %get3A_1377 : vector<1x16xf32> to vector<16xf32>
      %add3A_1379 = arith.addf %get3A_1373, %get3A_1378 : vector<16xf32>
      %swap3A_1380 = arith.constant 13 : i32
      %swap3A_1381 = arith.index_cast %swap3A_1380 : i32 to index
      %swap3A_1382 = arith.constant 34 : index
      %swap3A_1383 = tpu.vector_load %arg5[%swap3A_1381, %swap3A_1382] {strides = array<i32>} : memref<24x50xf32, #tpu.memory_space<vmem>>, vector<1x16xf32>,
      %swap3A_1384 = vector.shape_cast %swap3A_1383 : vector<1x16xf32> to vector<16xf32>
      %swap3A_1385 = vector.shape_cast %add3A_1379 : vector<16xf32> to vector<1x16xf32>
      tpu.vector_store %arg5[%swap3A_1381, %swap3A_1382], %swap3A_1385 {strides = array<i32>} : memref<24x50xf32, #tpu.memory_space<vmem>>, vector<1x16xf32>,
      %get3A_1386 = arith.constant 14 : i32
      %get3A_1387 = arith.index_cast %get3A_1386 : i32 to index
      %get3A_1388 = arith.constant 34 : index
      %get3A_1389 = tpu.vector_load %arg4[%get3A_1387, %get3A_1388] {strides = array<i32>} : memref<24x50xf32, #tpu.memory_space<vmem>>, vector<1x16xf32>,
      %get3A_1390 = vector.shape_cast %get3A_1389 : vector<1x16xf32> to vector<16xf32>
      %get3A_1391 = arith.constant 15 : i32
      %get3A_1392 = arith.index_cast %get3A_1391 : i32 to index
      %get3A_1393 = arith.constant 34 : index
      %get3A_1394 = tpu.vector_load %arg4[%get3A_1392, %get3A_1393] {strides = array<i32>} : memref<24x50xf32, #tpu.memory_space<vmem>>, vector<1x16xf32>,
      %get3A_1395 = vector.shape_cast %get3A_1394 : vector<1x16xf32> to vector<16xf32>
      %add3A_1396 = arith.addf %get3A_1390, %get3A_1395 : vector<16xf32>
      %get3A_1397 = arith.constant 16 : i32
      %get3A_1398 = arith.index_cast %get3A_1397 : i32 to index
      %get3A_1399 = arith.constant 34 : index
      %get3A_1400 = tpu.vector_load %arg4[%get3A_1398, %get3A_1399] {strides = array<i32>} : memref<24x50xf32, #tpu.memory_space<vmem>>, vector<1x16xf32>,
      %get3A_1401 = vector.shape_cast %get3A_1400 : vector<1x16xf32> to vector<16xf32>
      %add3A_1402 = arith.addf %add3A_1396, %get3A_1401 : vector<16xf32>
      %swap3A_1403 = arith.constant 14 : i32
      %swap3A_1404 = arith.index_cast %swap3A_1403 : i32 to index
      %swap3A_1405 = arith.constant 34 : index
      %swap3A_1406 = tpu.vector_load %arg5[%swap3A_1404, %swap3A_1405] {strides = array<i32>} : memref<24x50xf32, #tpu.memory_space<vmem>>, vector<1x16xf32>,
      %swap3A_1407 = vector.shape_cast %swap3A_1406 : vector<1x16xf32> to vector<16xf32>
      %swap3A_1408 = vector.shape_cast %add3A_1402 : vector<16xf32> to vector<1x16xf32>
      tpu.vector_store %arg5[%swap3A_1404, %swap3A_1405], %swap3A_1408 {strides = array<i32>} : memref<24x50xf32, #tpu.memory_space<vmem>>, vector<1x16xf32>,
      %get3A_1409 = arith.constant 15 : i32
      %get3A_1410 = arith.index_cast %get3A_1409 : i32 to index
      %get3A_1411 = arith.constant 34 : index
      %get3A_1412 = tpu.vector_load %arg4[%get3A_1410, %get3A_1411] {strides = array<i32>} : memref<24x50xf32, #tpu.memory_space<vmem>>, vector<1x16xf32>,
      %get3A_1413 = vector.shape_cast %get3A_1412 : vector<1x16xf32> to vector<16xf32>
      %swap3A_1414 = arith.constant 15 : i32
      %swap3A_1415 = arith.index_cast %swap3A_1414 : i32 to index
      %swap3A_1416 = arith.constant 34 : index
      %swap3A_1417 = tpu.vector_load %arg5[%swap3A_1415, %swap3A_1416] {strides = array<i32>} : memref<24x50xf32, #tpu.memory_space<vmem>>, vector<1x16xf32>,
      %swap3A_1418 = vector.shape_cast %swap3A_1417 : vector<1x16xf32> to vector<16xf32>
      %swap3A_1419 = vector.shape_cast %get3A_1413 : vector<16xf32> to vector<1x16xf32>
      tpu.vector_store %arg5[%swap3A_1415, %swap3A_1416], %swap3A_1419 {strides = array<i32>} : memref<24x50xf32, #tpu.memory_space<vmem>>, vector<1x16xf32>,
      %get3A_1420 = arith.constant 16 : i32
      %get3A_1421 = arith.index_cast %get3A_1420 : i32 to index
      %get3A_1422 = arith.constant 34 : index
      %get3A_1423 = tpu.vector_load %arg4[%get3A_1421, %get3A_1422] {strides = array<i32>} : memref<24x50xf32, #tpu.memory_space<vmem>>, vector<1x16xf32>,
      %get3A_1424 = vector.shape_cast %get3A_1423 : vector<1x16xf32> to vector<16xf32>
      %swap3A_1425 = arith.constant 16 : i32
      %swap3A_1426 = arith.index_cast %swap3A_1425 : i32 to index
      %swap3A_1427 = arith.constant 34 : index
      %swap3A_1428 = tpu.vector_load %arg5[%swap3A_1426, %swap3A_1427] {strides = array<i32>} : memref<24x50xf32, #tpu.memory_space<vmem>>, vector<1x16xf32>,
      %swap3A_1429 = vector.shape_cast %swap3A_1428 : vector<1x16xf32> to vector<16xf32>
      %swap3A_1430 = vector.shape_cast %get3A_1424 : vector<16xf32> to vector<1x16xf32>
      tpu.vector_store %arg5[%swap3A_1426, %swap3A_1427], %swap3A_1430 {strides = array<i32>} : memref<24x50xf32, #tpu.memory_space<vmem>>, vector<1x16xf32>,
      %get3A_1431 = arith.constant 17 : i32
      %get3A_1432 = arith.index_cast %get3A_1431 : i32 to index
      %get3A_1433 = arith.constant 34 : index
      %get3A_1434 = tpu.vector_load %arg4[%get3A_1432, %get3A_1433] {strides = array<i32>} : memref<24x50xf32, #tpu.memory_space<vmem>>, vector<1x16xf32>,
      %get3A_1435 = vector.shape_cast %get3A_1434 : vector<1x16xf32> to vector<16xf32>
      %get3A_1436 = arith.constant 18 : i32
      %get3A_1437 = arith.index_cast %get3A_1436 : i32 to index
      %get3A_1438 = arith.constant 34 : index
      %get3A_1439 = tpu.vector_load %arg4[%get3A_1437, %get3A_1438] {strides = array<i32>} : memref<24x50xf32, #tpu.memory_space<vmem>>, vector<1x16xf32>,
      %get3A_1440 = vector.shape_cast %get3A_1439 : vector<1x16xf32> to vector<16xf32>
      %add3A_1441 = arith.addf %get3A_1435, %get3A_1440 : vector<16xf32>
      %swap3A_1442 = arith.constant 17 : i32
      %swap3A_1443 = arith.index_cast %swap3A_1442 : i32 to index
      %swap3A_1444 = arith.constant 34 : index
      %swap3A_1445 = tpu.vector_load %arg5[%swap3A_1443, %swap3A_1444] {strides = array<i32>} : memref<24x50xf32, #tpu.memory_space<vmem>>, vector<1x16xf32>,
      %swap3A_1446 = vector.shape_cast %swap3A_1445 : vector<1x16xf32> to vector<16xf32>
      %swap3A_1447 = vector.shape_cast %add3A_1441 : vector<16xf32> to vector<1x16xf32>
      tpu.vector_store %arg5[%swap3A_1443, %swap3A_1444], %swap3A_1447 {strides = array<i32>} : memref<24x50xf32, #tpu.memory_space<vmem>>, vector<1x16xf32>,
      %get3A_1448 = arith.constant 18 : i32
      %get3A_1449 = arith.index_cast %get3A_1448 : i32 to index
      %get3A_1450 = arith.constant 34 : index
      %get3A_1451 = tpu.vector_load %arg4[%get3A_1449, %get3A_1450] {strides = array<i32>} : memref<24x50xf32, #tpu.memory_space<vmem>>, vector<1x16xf32>,
      %get3A_1452 = vector.shape_cast %get3A_1451 : vector<1x16xf32> to vector<16xf32>
      %get3A_1453 = arith.constant 19 : i32
      %get3A_1454 = arith.index_cast %get3A_1453 : i32 to index
      %get3A_1455 = arith.constant 34 : index
      %get3A_1456 = tpu.vector_load %arg4[%get3A_1454, %get3A_1455] {strides = array<i32>} : memref<24x50xf32, #tpu.memory_space<vmem>>, vector<1x16xf32>,
      %get3A_1457 = vector.shape_cast %get3A_1456 : vector<1x16xf32> to vector<16xf32>
      %add3A_1458 = arith.addf %get3A_1452, %get3A_1457 : vector<16xf32>
      %swap3A_1459 = arith.constant 18 : i32
      %swap3A_1460 = arith.index_cast %swap3A_1459 : i32 to index
      %swap3A_1461 = arith.constant 34 : index
      %swap3A_1462 = tpu.vector_load %arg5[%swap3A_1460, %swap3A_1461] {strides = array<i32>} : memref<24x50xf32, #tpu.memory_space<vmem>>, vector<1x16xf32>,
      %swap3A_1463 = vector.shape_cast %swap3A_1462 : vector<1x16xf32> to vector<16xf32>
      %swap3A_1464 = vector.shape_cast %add3A_1458 : vector<16xf32> to vector<1x16xf32>
      tpu.vector_store %arg5[%swap3A_1460, %swap3A_1461], %swap3A_1464 {strides = array<i32>} : memref<24x50xf32, #tpu.memory_space<vmem>>, vector<1x16xf32>,
      %get3A_1465 = arith.constant 19 : i32
      %get3A_1466 = arith.index_cast %get3A_1465 : i32 to index
      %get3A_1467 = arith.constant 34 : index
      %get3A_1468 = tpu.vector_load %arg4[%get3A_1466, %get3A_1467] {strides = array<i32>} : memref<24x50xf32, #tpu.memory_space<vmem>>, vector<1x16xf32>,
      %get3A_1469 = vector.shape_cast %get3A_1468 : vector<1x16xf32> to vector<16xf32>
      %get3A_1470 = arith.constant 20 : i32
      %get3A_1471 = arith.index_cast %get3A_1470 : i32 to index
      %get3A_1472 = arith.constant 34 : index
      %get3A_1473 = tpu.vector_load %arg4[%get3A_1471, %get3A_1472] {strides = array<i32>} : memref<24x50xf32, #tpu.memory_space<vmem>>, vector<1x16xf32>,
      %get3A_1474 = vector.shape_cast %get3A_1473 : vector<1x16xf32> to vector<16xf32>
      %add3A_1475 = arith.addf %get3A_1469, %get3A_1474 : vector<16xf32>
      %get3A_1476 = arith.constant 21 : i32
      %get3A_1477 = arith.index_cast %get3A_1476 : i32 to index
      %get3A_1478 = arith.constant 34 : index
      %get3A_1479 = tpu.vector_load %arg4[%get3A_1477, %get3A_1478] {strides = array<i32>} : memref<24x50xf32, #tpu.memory_space<vmem>>, vector<1x16xf32>,
      %get3A_1480 = vector.shape_cast %get3A_1479 : vector<1x16xf32> to vector<16xf32>
      %add3A_1481 = arith.addf %add3A_1475, %get3A_1480 : vector<16xf32>
      %swap3A_1482 = arith.constant 19 : i32
      %swap3A_1483 = arith.index_cast %swap3A_1482 : i32 to index
      %swap3A_1484 = arith.constant 34 : index
      %swap3A_1485 = tpu.vector_load %arg5[%swap3A_1483, %swap3A_1484] {strides = array<i32>} : memref<24x50xf32, #tpu.memory_space<vmem>>, vector<1x16xf32>,
      %swap3A_1486 = vector.shape_cast %swap3A_1485 : vector<1x16xf32> to vector<16xf32>
      %swap3A_1487 = vector.shape_cast %add3A_1481 : vector<16xf32> to vector<1x16xf32>
      tpu.vector_store %arg5[%swap3A_1483, %swap3A_1484], %swap3A_1487 {strides = array<i32>} : memref<24x50xf32, #tpu.memory_space<vmem>>, vector<1x16xf32>,
      %get3A_1488 = arith.constant 20 : i32
      %get3A_1489 = arith.index_cast %get3A_1488 : i32 to index
      %get3A_1490 = arith.constant 34 : index
      %get3A_1491 = tpu.vector_load %arg4[%get3A_1489, %get3A_1490] {strides = array<i32>} : memref<24x50xf32, #tpu.memory_space<vmem>>, vector<1x16xf32>,
      %get3A_1492 = vector.shape_cast %get3A_1491 : vector<1x16xf32> to vector<16xf32>
      %swap3A_1493 = arith.constant 20 : i32
      %swap3A_1494 = arith.index_cast %swap3A_1493 : i32 to index
      %swap3A_1495 = arith.constant 34 : index
      %swap3A_1496 = tpu.vector_load %arg5[%swap3A_1494, %swap3A_1495] {strides = array<i32>} : memref<24x50xf32, #tpu.memory_space<vmem>>, vector<1x16xf32>,
      %swap3A_1497 = vector.shape_cast %swap3A_1496 : vector<1x16xf32> to vector<16xf32>
      %swap3A_1498 = vector.shape_cast %get3A_1492 : vector<16xf32> to vector<1x16xf32>
      tpu.vector_store %arg5[%swap3A_1494, %swap3A_1495], %swap3A_1498 {strides = array<i32>} : memref<24x50xf32, #tpu.memory_space<vmem>>, vector<1x16xf32>,
      %get3A_1499 = arith.constant 21 : i32
      %get3A_1500 = arith.index_cast %get3A_1499 : i32 to index
      %get3A_1501 = arith.constant 34 : index
      %get3A_1502 = tpu.vector_load %arg4[%get3A_1500, %get3A_1501] {strides = array<i32>} : memref<24x50xf32, #tpu.memory_space<vmem>>, vector<1x16xf32>,
      %get3A_1503 = vector.shape_cast %get3A_1502 : vector<1x16xf32> to vector<16xf32>
      %swap3A_1504 = arith.constant 21 : i32
      %swap3A_1505 = arith.index_cast %swap3A_1504 : i32 to index
      %swap3A_1506 = arith.constant 34 : index
      %swap3A_1507 = tpu.vector_load %arg5[%swap3A_1505, %swap3A_1506] {strides = array<i32>} : memref<24x50xf32, #tpu.memory_space<vmem>>, vector<1x16xf32>,
      %swap3A_1508 = vector.shape_cast %swap3A_1507 : vector<1x16xf32> to vector<16xf32>
      %swap3A_1509 = vector.shape_cast %get3A_1503 : vector<16xf32> to vector<1x16xf32>
      tpu.vector_store %arg5[%swap3A_1505, %swap3A_1506], %swap3A_1509 {strides = array<i32>} : memref<24x50xf32, #tpu.memory_space<vmem>>, vector<1x16xf32>,
      %swap3A_1510 = arith.constant 22 : i32
      %swap3A_1511 = arith.index_cast %swap3A_1510 : i32 to index
      %swap3A_1512 = arith.constant 34 : index
      %swap3A_1513 = tpu.vector_load %arg5[%swap3A_1511, %swap3A_1512] {strides = array<i32>} : memref<24x50xf32, #tpu.memory_space<vmem>>, vector<1x16xf32>,
      %swap3A_1514 = vector.shape_cast %swap3A_1513 : vector<1x16xf32> to vector<16xf32>
      %swap3A_1515 = vector.shape_cast %broadcast_in_dim3A_4 : vector<16xf32> to vector<1x16xf32>
      tpu.vector_store %arg5[%swap3A_1511, %swap3A_1512], %swap3A_1515 {strides = array<i32>} : memref<24x50xf32, #tpu.memory_space<vmem>>, vector<1x16xf32>,
      %swap3A_1516 = arith.constant 23 : i32
      %swap3A_1517 = arith.index_cast %swap3A_1516 : i32 to index
      %swap3A_1518 = arith.constant 34 : index
      %swap3A_1519 = tpu.vector_load %arg5[%swap3A_1517, %swap3A_1518] {strides = array<i32>} : memref<24x50xf32, #tpu.memory_space<vmem>>, vector<1x16xf32>,
      %swap3A_1520 = vector.shape_cast %swap3A_1519 : vector<1x16xf32> to vector<16xf32>
      %swap3A_1521 = vector.shape_cast %broadcast_in_dim3A_4 : vector<16xf32> to vector<1x16xf32>
      tpu.vector_store %arg5[%swap3A_1517, %swap3A_1518], %swap3A_1521 {strides = array<i32>} : memref<24x50xf32, #tpu.memory_space<vmem>>, vector<1x16xf32>,
      "tpu.region"() ({
        %run_scoped3A = tpu.sem_alloc : memref<!tpu.dma_semaphore, #tpu.memory_space<semaphore_mem>>
        tpu.enqueue_dma source(%arg5 : memref<24x50xf32, #tpu.memory_space<vmem>>) target(%arg3 : memref<24x50xf32, #tpu.memory_space<hbm>>) target_semaphore(%run_scoped3A : memref<!tpu.dma_semaphore, #tpu.memory_space<semaphore_mem>>)
        tpu.wait_dma2 semaphore(%run_scoped3A : memref<!tpu.dma_semaphore, #tpu.memory_space<semaphore_mem>>) src(%arg5 : memref<24x50xf32, #tpu.memory_space<vmem>>) dst(%arg3 : memref<24x50xf32, #tpu.memory_space<hbm>>)
        tpu.yield
      }) : () -> ()
    } else {
    }
    return
  }
}

module attributes {stable_mosaic.version = 14 : i64} {
  func.func @_tc_body(%arg0: i32, %arg1: memref<1x24x50xf32, #tpu.memory_space<vmem>>, %arg2: memref<4x3300x50xf32, #tpu.memory_space<vmem>>) attributes {dimension_semantics = [#tpu.dimension_semantics<arbitrary>], iteration_bounds = array<i64: 64>, scalar_prefetch = 0 : i64, scratch_operands = 0 : i64, tpu.core_type = #tpu.core_type<tc>, window_params = [{pipeline_mode = #tpu.pipeline_mode<synchronous>, transform_indices = @transform_0, window_bounds = array<i64: 1, 24, 50>}, {transform_indices = @transform_1, window_bounds = array<i64: 4, 3300, 50>}]} {
    %lt3A = arith.constant 8 : i32
    %lt3A_0 = arith.cmpi slt, %arg0, %lt3A : i32
    %convert_element_type3A = arith.extui %lt3A_0 : i1 to i32
    %cond3A = arith.constant 0 : i32
    %cond3A_1 = arith.cmpi ne, %convert_element_type3A, %cond3A : i32
    scf.if %cond3A_1 {
      %broadcast_in_dim3A = arith.constant 0.000000e+00 : f32
      %broadcast_in_dim3A_6 = vector.broadcast %broadcast_in_dim3A : f32 to vector<4x3300x50xf32>
      %swap3A = arith.constant 0 : index
      %swap3A_7 = arith.constant 0 : index
      %swap3A_8 = arith.constant 0 : index
      %swap3A_9 = vector.load %arg2[%swap3A, %swap3A_7, %swap3A_8] : memref<4x3300x50xf32, #tpu.memory_space<vmem>>, vector<4x3300x50xf32>
      tpu.vector_store %arg2[%swap3A, %swap3A_7, %swap3A_8], %broadcast_in_dim3A_6 {strides = array<i32>} : memref<4x3300x50xf32, #tpu.memory_space<vmem>>, vector<4x3300x50xf32>,
    } else {
    }
    %eq3A = arith.constant 63 : i32
    %eq3A_2 = arith.cmpi eq, %arg0, %eq3A : i32
    %convert_element_type3A_3 = arith.extui %eq3A_2 : i1 to i32
    %cond3A_4 = arith.constant 0 : i32
    %cond3A_5 = arith.cmpi ne, %convert_element_type3A_3, %cond3A_4 : i32
    scf.if %cond3A_5 {
      %get3A = arith.constant 0 : index
      %get3A_6 = arith.constant 0 : index
      %get3A_7 = arith.constant 0 : index
      %get3A_8 = vector.load %arg1[%get3A, %get3A_6, %get3A_7] : memref<1x24x50xf32, #tpu.memory_space<vmem>>, vector<1x24x50xf32>
      %swap3A = arith.constant 0 : index
      %swap3A_9 = arith.constant 0 : index
      %swap3A_10 = arith.constant 0 : index
      %swap3A_11 = vector.load %arg2[%swap3A, %swap3A_9, %swap3A_10] : memref<4x3300x50xf32, #tpu.memory_space<vmem>>, vector<1x24x50xf32>
      tpu.vector_store %arg2[%swap3A, %swap3A_9, %swap3A_10], %get3A_8 {strides = array<i32>} : memref<4x3300x50xf32, #tpu.memory_space<vmem>>, vector<1x24x50xf32>,
    } else {
    }
    return
  }
  func.func @transform_0(%arg0: i32) -> (i32, i32, i32) {
    %c0_i32 = arith.constant 0 : i32
    %c0_i32_0 = arith.constant 0 : i32
    %c0_i32_1 = arith.constant 0 : i32
    %c0_i32_2 = arith.constant 0 : i32
    return %c0_i32, %c0_i32_0, %c0_i32_1 : i32, i32, i32
  }
  func.func @transform_1(%arg0: i32) -> (i32, i32, i32) {
    %sub3A = arith.constant 63 : i32
    %sub3A_0 = arith.subi %sub3A, %arg0 : i32
    %c0_i32 = arith.constant 0 : i32
    %c0_i32_1 = arith.constant 0 : i32
    %c0_i32_2 = arith.constant 0 : i32
    return %sub3A_0, %c0_i32, %c0_i32_1 : i32, i32, i32
  }
}

</mosaic_0001>

<sc_bundles>
// kernel: kernel.4.cloned.1.call-start
scs
__scs_entry_jumppad:
0x0: {  	(pc) =	sbr.rel $0x88, $3  }
0x1: {  	(tag) =	ssettag $0x0;
	lr =	simm.s32 $0x1  }
0x2: {  	[smem:$0x3FA0] =	sst lr;
	_ =	strace $0xD0000000  }
0x3: {  	_ = 	snop  }
0x4: {  	_ = 	snop  }
0x5: {  	_ = 	snop  }
0x6: {  	_ = 	snop  }
0x7: {  	_ = 	snop  }
__scs_overlays_trampoline_lowered:
0x8: {  	[smem:$0x3FAF] =	sst s0  }
0x9: {  	[smem:$0x3FB0] =	sst s1  }
0xa: {  	[smem:$0x3FB1] =	sst s2  }
0xb: {  	[smem:$0x3FB2] =	sst s3  }
0xc: {  	[smem:$0x3FB3] =	sst s4  }
0xd: {  	[smem:$0x3FB4] =	sst s5  }
0xe: {  	[smem:$0x3FB5] =	sst s6  }
0xf: {  	[smem:$0x3FB6] =	sst s7  }
0x10: {  	[smem:$0x3FB7] =	sst s8  }
0x11: {  	[smem:$0x3FB8] =	sst s9;
	s0 =	simm.s32 @!p0 $0x0  }
0x12: {  	s1 =	sld [smem:$0x3F9E];
	s0 =	simm.s32 @p0 $0x1  }
0x13: {  	[smem:$0x3FB9] =	sst s0;
	s0 =	simm.s32 @!p1 $0x0  }
0x14: {  	s2 =	sld [smem:$0x3F9D];
	s0 =	simm.s32 @p1 $0x1  }
0x15: {  	[smem:$0x3FBA] =	sst s0;
	s0 =	simm.s32 @!p2 $0x0  }
0x16: {  	s3 =	sld [smem:$0x3FDB];
	s0 =	simm.s32 @p2 $0x1  }
0x17: {  	s4 =	simm.s32 $0x1BF5;
	[smem:$0x3FBC] =	sst s0  }
0x18: {  	s0 =	sld [smem:$0x3F9F];
	_ =	swait.ge [sflag:s4], $0x0  }
0x19: {  	s7 =	sld [smem:$0x3FA0]  }
0x1a: {  	s8 =	sadd.s32 $0xFFFFE003, lr  }
0x1b: {  	s9 =	sadd.s32 $0xFFFFFEF7, lr;
	s5 =	simm.s32 $0xFFFFFFFF;
	p2 =	slt.u32 s8, $0xFFFFF086  }
0x1c: {  	p1 =	slt.u32 s9, $0xF7A;
	s5 =	simm.s32 @!p2 $0x0  }
0x1d: {  	s5 =	simm.s32 @p1 $0x1;
	p0 =	seq.s32 s7, s2  }
0x1e: {  	s7 =	smul.u32 @!p0 $0xF7A, s2;
	p2 =	seq.s32 @!p0 s5, $0x0  }
0x1f: {  	s9 =	smul.u32 $0xF7A, s1;
	s8 =	simm.s32 @!p0 $0x1BF5;
	p2 =	por !p2, p0  }
0x20: {  	[sflag:s8] =	ssyncset.s32 @!p0 $0xFFFFF086;
	s6 =	sadd.s32 @!p0 s3, s7;
	s7 =	simm.s32 @!p0 $0x108  }
0x21: {  	s3 =	sadd.s32 s3, s9;
	s6 =	sadd.s32 @!p0 $0x88, s6;
	s7 =	simm.s32 @p2 $0x1082  }
0x22: {  	[simem:s7], [sflag:s8] =	dma.local @!p0 [hbm:s6], $0xF7A  }
0x23: {  	s9 =	sor.u32 $0xD0000000, s2;
	s6 =	simm.s32 $0x108;
	_ =	swait.ge @!p0 [sflag:s8], $0x0  }
0x24: {  	s3 =	sadd.s32 $0x88, s3;
	s6 =	simm.s32 @!p1 $0x1082;
	[sflag:s4] =	ssyncset.s32 $0xFFFFF086  }
0x25: {  	[simem:s6], [sflag:s4] =	dma.local [hbm:s3], $0xF7A  }
0x26: {  	[smem:$0x3FA0] =	sst s1;
	(tag) =	ssettag s2;
	_ =	strace s9  }
0x27: {  	s1 =	sld [smem:$0x3FB0]  }
0x28: {  	s2 =	sld [smem:$0x3FB1]  }
0x29: {  	s4 =	sld [smem:$0x3FB3]  }
0x2a: {  	p0 =	seq.s32 s5, $0x0;
	s5 =	sld [smem:$0x3FB4]  }
0x2b: {  	s6 =	sld [smem:$0x3FB5]  }
0x2c: {  	s7 =	sld [smem:$0x3FB6]  }
0x2d: {  	s3 =	simm.s32 $0x108;
	s8 =	sld [smem:$0x3FB7]  }
0x2e: {  	s3 =	simm.s32 @!p0 $0x1082;
	s9 =	sld [smem:$0x3FB8]  }
0x2f: {  	lr =	sadd.s32 s0, s3;
	s0 =	sld [smem:$0x3FAF]  }
0x30: {  	s3 =	sld [smem:$0x3FB2]  }
0x31: {  	[smem:$0x3FBB] =	sst s10  }
0x32: {  	s10 =	sld [smem:$0x3FB9];
	_ =	sdelay $0x3  }
0x33: {  	p0 =	seq.s32 s10, $0x1;
	s10 =	sld [smem:$0x3FBB];
	_ =	sdelay $0x3  }
0x34: {  	[smem:$0x3FBB] =	sst s10  }
0x35: {  	s10 =	sld [smem:$0x3FBA];
	_ =	sdelay $0x3  }
0x36: {  	p1 =	seq.s32 s10, $0x1;
	s10 =	sld [smem:$0x3FBB];
	_ =	sdelay $0x3  }
0x37: {  	[smem:$0x3FBB] =	sst s10  }
0x38: {  	s10 =	sld [smem:$0x3FBC]  }
0x39: {  	_ = 	snop;
	(pc) =	sbr.ind lr, $3  }
0x3a: {  	_ = 	snop  }
0x3b: {  	_ = 	snop  }
0x3c: {  	p2 =	seq.s32 s10, $0x1;
	s10 =	sld [smem:$0x3FBB]  }
0x3d: {  	_ =	shalt  }
0x3e: {  	_ =	shalt  }
0x3f: {  	_ =	shalt  }
0x40: {  	_ =	shalt  }
0x41: {  	_ =	shalt  }
0x42: {  	_ =	shalt  }
0x43: {  	_ =	shalt  }
0x44: {  	_ =	shalt  }
0x45: {  	_ =	shalt  }
0x46: {  	_ =	shalt  }
0x47: {  	_ =	shalt  }
0x48: {  	_ =	shalt  }
0x49: {  	_ =	shalt  }
0x4a: {  	_ =	shalt  }
0x4b: {  	_ =	shalt  }
0x4c: {  	_ =	shalt  }
0x4d: {  	_ =	shalt  }
0x4e: {  	_ =	shalt  }
0x4f: {  	_ =	shalt  }
0x50: {  	_ =	shalt  }
0x51: {  	_ =	shalt  }
0x52: {  	_ =	shalt  }
0x53: {  	_ =	shalt  }
0x54: {  	_ =	shalt  }
0x55: {  	_ =	shalt  }
0x56: {  	_ =	shalt  }
0x57: {  	_ =	shalt  }
0x58: {  	_ =	shalt  }
0x59: {  	_ =	shalt  }
0x5a: {  	_ =	shalt  }
0x5b: {  	_ =	shalt  }
0x5c: {  	_ =	shalt  }
0x5d: {  	_ =	shalt  }
0x5e: {  	_ =	shalt  }
0x5f: {  	_ =	shalt  }
0x60: {  	_ =	shalt  }
0x61: {  	_ =	shalt  }
0x62: {  	_ =	shalt  }
0x63: {  	_ =	shalt  }
0x64: {  	_ =	shalt  }
0x65: {  	_ =	shalt  }
0x66: {  	_ =	shalt  }
0x67: {  	_ =	shalt  }
0x68: {  	_ =	shalt  }
0x69: {  	_ =	shalt  }
0x6a: {  	_ =	shalt  }
0x6b: {  	_ =	shalt  }
0x6c: {  	_ =	shalt  }
0x6d: {  	_ =	shalt  }
0x6e: {  	_ =	shalt  }
0x6f: {  	_ =	shalt  }
0x70: {  	_ =	shalt  }
0x71: {  	_ =	shalt  }
0x72: {  	_ =	shalt  }
0x73: {  	_ =	shalt  }
0x74: {  	_ =	shalt  }
0x75: {  	_ =	shalt  }
0x76: {  	_ =	shalt  }
0x77: {  	_ =	shalt  }
0x78: {  	_ =	shalt  }
0x79: {  	_ =	shalt  }
0x7a: {  	_ =	shalt  }
0x7b: {  	_ =	shalt  }
0x7c: {  	_ =	shalt  }
0x7d: {  	_ =	shalt  }
0x7e: {  	_ =	shalt  }
0x7f: {  	_ =	shalt  }
0x80: {  	_ =	shalt  }
0x81: {  	_ =	shalt  }
0x82: {  	_ =	shalt  }
0x83: {  	_ =	shalt  }
0x84: {  	_ =	shalt  }
0x85: {  	_ =	shalt  }
0x86: {  	_ =	shalt  }
0x87: {  	_ =	shalt  }
.Lfunc_end0:
.L_simem_size_0:
called_computation_lowered:
.L_overlay_start_0:
0x88: {  	s2 =	sld [smem:$0x3FD9]  }
0x89: {  	s3 =	sld [smem:$0x3FFE];
	_ =	sdelay $0x1  }
0x8a: {  	s1 =	srdreg.scid  }
0x8b: {  	s0 =	sand.u32 $0x1, s1  }
0x8c: {  	s17 =	sshll.u32 s0, $0xA;
	s2 =	sadd.s32 s3, s2  }
0x8d: {  	s2 =	sadd.s32 s2, s17  }
0x8e: {  	[smem:$0x3FC7] =	sst s2  }
0x8f: {  	_ = 	snop  }
0x90: {  	s2 =	sld [smem:$0x3FD0];
	(tm) =	ssettm $0x1  }
0x91: {  	s18 =	sld [smem:$0x3FFB];
	_ =	sdelay $0x3  }
0x92: {  	_ =	strace s18  }
0x93: {  	s3 =	sld [smem:$0x3FFC];
	_ =	sdelay $0x3  }
0x94: {  	_ =	strace s3  }
0x95: {  	s3 =	sld [smem:$0x3FFD];
	_ =	sdelay $0x3  }
0x96: {  	_ =	strace s3  }
0x97: {  	_ =	strace $0x8FFFFFFF  }
0x98: {  	s19 =	sld [smem:$0x3FDB];
	_ =	sdelay $0x1  }
0x99: {  	s4 =	simm.s32 $_scs_section_size  }
0x9a: {  	s5 =	simm.s32 $_size__tile_overlayer_lowered;
	s6 =	simm.s32 $_tile_overlayer_lowered  }
0x9b: {  	s22 =	simm.s32 $0x1BFF;
	s21 =	sshll.u32 s6, $0x1;
	s3 =	sadd.s32 s4, s19  }
0x9c: {  	s7 =	simm.s32 $0x0;
	s20 =	sshll.u32 s5, $0x1;
	s5 =	sadd.s32 s21, s3  }
0x9d: {  	[timem:s7], [sflag:s22] =	dma.local [hbm:s5], s20  }
0x9e: {  	_ =	swait.ge [sflag:s22], s20  }
0x9f: {  	s4 =	ssub.s32 $0x0, s20;
	[sflag:s22] =	ssyncset.done $0x0  }
0xa0: {  	[sflag:s22] =	ssyncadd.s32 s4;
	_ =	sdelay $0x1  }
0xa1: {  	s23 =	simm.s32 $0x1B8B  }
0xa2: {  	_ =	swait.ge [sflag:s23], $0x1  }
0xa3: {  	[sflag:s23] =	ssyncset.done $0x0  }
0xa4: {  	s25 =	simm.s32 $0x1B8E;
	s24 =	sld [smem:$0x3FFE];
	[sflag:s23] =	ssyncadd.s32 $0xFFFFFFFF  }
0xa5: {  	s26 =	simm.s32 $execute0_lowered;
	[smem:$0x3FD2] =	sst s25  }
0xa6: {  	s5 =	sshll.u32 s26, $0x1;
	_ =	strace $0x80000046;
	[dreg:$0x1] =	wrdreg $0xFFFFFFFF  }
0xa7: {  	s28 =	simm.s32 $_size_execute0_lowered;
	s3 =	sadd.s32 s3, s5;
	[dreg:$0x0] =	wrdreg $0x0  }
0xa8: {  	s5 =	sshll.u32 s28, $0x1;
	[dreg:$0x2] =	wrdreg s3  }
0xa9: {  	[dreg:$0x3] =	wrdreg s5  }
0xaa: {  	[dreg:$0x4] =	wrdreg $0xC0  }
0xab: {  	_ =	task [dreg:s7], $0x5FFFF  }
0xac: {  	[dreg:$0x1] =	wrdreg $0xFFFFFFFF  }
0xad: {  	[dreg:$0x0] =	wrdreg $0x60  }
0xae: {  	[dreg:$0x2] =	wrdreg s2  }
0xaf: {  	[dreg:$0x3] =	wrdreg s24  }
0xb0: {  	[dreg:$0x4] =	wrdreg $0x9  }
0xb1: {  	_ =	task.clear_ibuf [dreg:s7], $0x5FFFF;
	_ =	strace $0x90000046  }
0xb2: {  	s29 =	simm.s32 $0x9;
	_ =	strace $0x80000048  }
0xb3: {  	_ =	swait.ge [sflag:s29], $0x1  }
0xb4: {  	[sflag:s29] =	ssyncadd.s32 $0xFFFFFFFF  }
0xb5: {  	_ =	strace $0x90000048  }
0xb6: {  	_ =	sfence  }
0xb7: {  	s30 =	sld [smem:$0x0];
	_ =	sdelay $0x2  }
0xb8: {  	s31 =	sshll.u32 s1, $0xD;
	s1 =	sshrl.u32 s1, $0x2  }
0xb9: {  	s3 =	sand.u32 $0x4000, s31;
	s1 =	sadd.s32 s1, s30  }
0xba: {  	s0 =	sor.u32 s3, s0;
	s1 =	sshll.u32 s1, $0x11  }
0xbb: {  	s0 =	sor.u32 s1, s0  }
0xbc: {  	s0 =	sadd.s32 $0x8F2B, s0  }
0xbd: {  	[sflag:s0] =	ssyncadd.remote.s32 $0x1  }
0xbe: {  	_ =	sfence.sel $0xFFFF  }
0xbf: {  	[dreg:$0x0] =	wrdreg $0xFFFFFFFF;
	(pc) =	sbr.abs _section_cstart, $3  }
0xc0: {  	[dreg:$0x1] =	wrdreg $0xFFFFFFFF  }
0xc1: {  	_ =	task.clear_ibuf [dreg:s7], $0x2FFFF;
	_ =	strace $0x9FFFFFFF  }
0xc2: {  	(tm) =	ssettm $0x7FFFFFFF  }
0xc3: {  	_ =	shalt  }
tec
execute0_lowered:
.L_overlay_start_1:
0x0: {  	(tag) =	ssettag $0x1  }
0x1: {  	s0 =	srdreg.scid  }
0x2: {  	s4 =	sand.u32 $0x1, s0;
	s0 =	stileid.u32  }
0x3: {  	s5 =	sor.u32 s0, s4  }
0x4: {  	p0 =	sne.s32 s5, $0x0  }
.Ltmp0:
0x5: {  	_ = 	snop;
	(pc) =	sbr.rel @p0 .LBB2_3-.Ltmp0, $4  }
0x6: {  	_ = 	snop  }
0x7: {  	s2 =	rddreg [dreg:$0x0]  }
0x8: {  	s3 =	rddreg [dreg:$0x1]  }
0x9: {  	s1 =	rddreg [dreg:$0x2];
	_ =	strace $0x80000047  }
0xa: {  	s4 =	ssub.s32 $0x2, s4  }
0xb: {  	s3 =	sadd.s32 $0x600, s3;
	s6 =	simm.s32 $0x1;
	s5 =	sshrl.u32 s4, $0x1  }
0xc: {  	s7 =	simm.s32 $0xC00;
	s4 =	ssub.s32 s4, s5;
	s5 =	simm.s32 $0x0  }
.LBB2_2:
0xd: {  	[tilespmem:s5], [sflag:$0x1] =	stream.linear.gather [hbm4b:s2+s5], $0xC00, $0x38;
	[tilespmem:$0x1800] =	vst v63  }
0xe: {  	_ =	swait.ge [sflag:s6], $0xC00  }
0xf: {  	[sflag:s6] =	ssyncset.done $0x0  }
0x10: {  	[sflag:s6] =	ssyncadd.s32 $0xFFFFF400  }
0x11: {  	v1 =	vld [tilespmem:$0x0]  }
0x12: {  	v2 =	vld [tilespmem:$0x80]  }
0x13: {  	v3 =	vld [tilespmem:$0x400]  }
0x14: {  	v4 =	vld [tilespmem:$0x80]  }
0x15: {  	v5 =	vld [tilespmem:$0x100]  }
0x16: {  	v6 =	vld [tilespmem:$0x100]  }
0x17: {  	v7 =	vld [tilespmem:$0x180]  }
0x18: {  	v8 =	vld [tilespmem:$0x180]  }
0x19: {  	v9 =	vld [tilespmem:$0x200]  }
0x1a: {  	v10 =	vld [tilespmem:$0x280]  }
0x1b: {  	v11 =	vld [tilespmem:$0x400]  }
0x1c: {  	v12 =	vld [tilespmem:$0x280]  }
0x1d: {  	v13 =	vld [tilespmem:$0x300]  }
0x1e: {  	v14 =	vld [tilespmem:$0x300]  }
0x1f: {  	v15 =	vld [tilespmem:$0x380]  }
0x20: {  	v16 =	vld [tilespmem:$0x380]  }
0x21: {  	v17 =	vld [tilespmem:$0x400]  }
0x22: {  	v18 =	vld [tilespmem:$0x480]  }
0x23: {  	v19 =	vld [tilespmem:$0x480]  }
0x24: {  	v20 =	vld [tilespmem:$0x500]  }
0x25: {  	v21 =	vld [tilespmem:$0x600]  }
0x26: {  	v22 =	vld [tilespmem:$0x880]  }
0x27: {  	v23 =	vld [tilespmem:$0x500]  }
0x28: {  	v24 =	vld [tilespmem:$0x580]  }
0x29: {  	v25 =	vld [tilespmem:$0x580]  }
0x2a: {  	v26 =	vld [tilespmem:$0x600]  }
0x2b: {  	v27 =	vld [tilespmem:$0x680]  }
0x2c: {  	v28 =	vld [tilespmem:$0x680]  }
0x2d: {  	v29 =	vld [tilespmem:$0x700]  }
0x2e: {  	v30 =	vld [tilespmem:$0x700]  }
0x2f: {  	v31 =	vld [tilespmem:$0x780]  }
0x30: {  	v32 =	vld [tilespmem:$0x800]  }
0x31: {  	v33 =	vld [tilespmem:$0x780]  }
0x32: {  	v34 =	vld [tilespmem:$0x800]  }
0x33: {  	v35 =	vld [tilespmem:$0x880]  }
0x34: {  	v36 =	vld [tilespmem:$0x900]  }
0x35: {  	v37 =	vld [tilespmem:$0x900]  }
0x36: {  	v38 =	vld [tilespmem:$0x980]  }
0x37: {  	v39 =	vld [tilespmem:$0x980]  }
0x38: {  	v40 =	vld [tilespmem:$0xA00]  }
0x39: {  	v41 =	vld [tilespmem:$0xA80]  }
0x3a: {  	v42 =	vld [tilespmem:$0xA00]  }
0x3b: {  	v51 =	vld [tilespmem:$0xA80]  }
0x3c: {  	v44 =	vld [tilespmem:$0x10]  }
0x3d: {  	v45 =	vld [tilespmem:$0x90]  }
0x3e: {  	v46 =	vld [tilespmem:$0x410]  }
0x3f: {  	v47 =	vld [tilespmem:$0x90]  }
0x40: {  	v48 =	vld [tilespmem:$0x110]  }
0x41: {  	v49 =	vld [tilespmem:$0x110]  }
0x42: {  	v50 =	vld [tilespmem:$0x190]  }
0x43: {  	v61 =	vld [tilespmem:$0x190]  }
0x44: {  	v52 =	vld [tilespmem:$0x210]  }
0x45: {  	v53 =	vld [tilespmem:$0x290]  }
0x46: {  	v54 =	vld [tilespmem:$0x410]  }
0x47: {  	v55 =	vld [tilespmem:$0x290]  }
0x48: {  	v56 =	vld [tilespmem:$0x310]  }
0x49: {  	v57 =	vld [tilespmem:$0x310]  }
0x4a: {  	v58 =	vld [tilespmem:$0x390]  }
0x4b: {  	v0 =	vld [tilespmem:$0x390]  }
0x4c: {  	v43 =	vld [tilespmem:$0x410]  }
0x4d: {  	v59 =	vld [tilespmem:$0x490]  }
0x4e: {  	v60 =	vld [tilespmem:$0x510]  }
0x4f: {  	v62 =	vld [tilespmem:$0x490]  }
0x50: {  	v63 =	vld [tilespmem:$0x510]  }
0x51: {  	[tilespmem:$0x1FEB0] =	vst v43;
	v43 =	vld [tilespmem:$0x610]  }
0x52: {  	[tilespmem:$0x1FEC0] =	vst v59;
	v59 =	vld [tilespmem:$0x890]  }
0x53: {  	[tilespmem:$0x1FEE0] =	vst v60;
	v60 =	vld [tilespmem:$0x590]  }
0x54: {  	[tilespmem:$0x1FED0] =	vst v0;
	v0 =	vld [tilespmem:$0x810]  }
0x55: {  	v4 =	vadd.f32 v5, v4;
	v5 =	vld [tilespmem:$0xA0]  }
0x56: {  	v10 =	vadd.f32 v10, v9;
	v12 =	vadd.f32 v13, v12;
	v9 =	vld [tilespmem:$0x1A0]  }
0x57: {  	v13 =	vadd.f32 v20, v19;
	v19 =	vadd.f32 v15, v14;
	v14 =	vld [tilespmem:$0x420]  }
0x58: {  	[tilespmem:$0xF80] =	vst v16;
	v16 =	vld [tilespmem:$0x320]  }
0x59: {  	v15 =	vld [tilespmem:$0x3A0]  }
0x5a: {  	[tilespmem:$0x1180] =	vst v25;
	v25 =	vld [tilespmem:$0x520]  }
0x5b: {  	[tilespmem:$0x1600] =	vst v42;
	v42 =	vld [tilespmem:$0x1FEC0]  }
0x5c: {  	[tilespmem:$0xC80] =	vst v4;
	v4 =	vld [tilespmem:$0xA0]  }
0x5d: {  	[tilespmem:$0xE80] =	vst v12;
	v12 =	vld [tilespmem:$0x220]  }
0x5e: {  	v20 =	vadd.f32 v21, v13;
	v13 =	vld [tilespmem:$0x2A0]  }
0x5f: {  	[tilespmem:$0x1380] =	vst v33;
	v21 =	vadd.f32 v18, v17;
	v18 =	vld [tilespmem:$0x320]  }
0x60: {  	[tilespmem:$0x1400] =	vst v34;
	v33 =	vadd.f32 v48, v47;
	v17 =	vld [tilespmem:$0x3A0]  }
0x61: {  	v34 =	vadd.f32 v50, v49;
	[tilespmem:$0xF00] =	vst v19;
	v19 =	vld [tilespmem:$0x8A0]  }
0x62: {  	[tilespmem:$0xC90] =	vst v33;
	v33 =	vld [tilespmem:$0x720]  }
0x63: {  	[tilespmem:$0xD10] =	vst v34;
	v34 =	vld [tilespmem:$0x7A0]  }
0x64: {  	[tilespmem:$0x1000] =	vst v21;
	v21 =	vld [tilespmem:$0x4A0]  }
0x65: {  	[tilespmem:$0xD80] =	vst v8;
	v8 =	vadd.f32 v22, v20;
	v20 =	vld [tilespmem:$0x520]  }
0x66: {  	[tilespmem:$0x1FEF0] =	vst v60;
	v60 =	vld [tilespmem:$0x590]  }
0x67: {  	v22 =	vadd.f32 v24, v23;
	v23 =	vadd.f32 v27, v26;
	[tilespmem:$0x1FF60] =	vst v0;
	v0 =	vld [tilespmem:$0x790]  }
0x68: {  	v24 =	vadd.f32 v31, v30;
	[tilespmem:$0x1080] =	vst v8;
	v8 =	vld [tilespmem:$0x2A0]  }
0x69: {  	v26 =	vadd.f32 v29, v28;
	v29 =	vadd.f32 v40, v39;
	[tilespmem:$0x1200] =	vst v23;
	v23 =	vld [tilespmem:$0x4A0]  }
0x6a: {  	v27 =	vadd.f32 v32, v24;
	v24 =	vld [tilespmem:$0x620]  }
0x6b: {  	v28 =	vadd.f32 v36, v35;
	v31 =	vadd.f32 v41, v29;
	v29 =	vld [tilespmem:$0x5A0]  }
0x6c: {  	[tilespmem:$0x1280] =	vst v26;
	v26 =	vld [tilespmem:$0x620]  }
0x6d: {  	v30 =	vadd.f32 v38, v37;
	v38 =	vadd.f32 v63, v62;
	[tilespmem:$0x1480] =	vst v28;
	v28 =	vld [tilespmem:$0x6A0]  }
0x6e: {  	v35 =	vadd.f32 v53, v52;
	v41 =	vld [tilespmem:$0x1FEB0]  }
0x6f: {  	v40 =	vadd.f32 v43, v38;
	v43 =	vld [tilespmem:$0x1FED0]  }
0x70: {  	v36 =	vadd.f32 v54, v35;
	v35 =	vld [tilespmem:$0x820]  }
0x71: {  	v32 =	vadd.f32 v45, v44;
	v44 =	vld [tilespmem:$0x1FEE0]  }
0x72: {  	v45 =	vld [tilespmem:$0x1FEF0]  }
0x73: {  	v38 =	vld [tilespmem:$0x8A0]  }
0x74: {  	v52 =	vld [tilespmem:$0x1FF60]  }
0x75: {  	[tilespmem:$0x1300] =	vst v27;
	v27 =	vld [tilespmem:$0x5A0]  }
0x76: {  	[tilespmem:$0x1100] =	vst v22;
	v22 =	vadd.f32 v46, v32;
	v32 =	vld [tilespmem:$0x6A0]  }
0x77: {  	[tilespmem:$0x1580] =	vst v31;
	v31 =	vld [tilespmem:$0x720]  }
0x78: {  	[tilespmem:$0xE10] =	vst v36;
	v36 =	vld [tilespmem:$0x7A0]  }
0x79: {  	[tilespmem:$0x1500] =	vst v30;
	v30 =	vadd.f32 v59, v40;
	v40 =	vld [tilespmem:$0x920]  }
0x7a: {  	[tilespmem:$0x1FF30] =	vst v60;
	v60 =	vld [tilespmem:$0x610]  }
0x7b: {  	[tilespmem:$0x1FF70] =	vst v0;
	v0 =	vld [tilespmem:$0x810]  }
0x7c: {  	[tilespmem:$0x1090] =	vst v30;
	v30 =	vld [tilespmem:$0x820]  }
0x7d: {  	v49 =	vld [tilespmem:$0x1FF30]  }
0x7e: {  	[tilespmem:$0xC10] =	vst v22;
	v22 =	vadd.f32 v42, v41;
	v53 =	vld [tilespmem:$0x1FF70]  }
0x7f: {  	[tilespmem:$0xF90] =	vst v43;
	v43 =	vld [tilespmem:$0xA20]  }
0x80: {  	[tilespmem:$0x1010] =	vst v22;
	v22 =	vadd.f32 v45, v44;
	v45 =	vld [tilespmem:$0xAA0]  }
0x81: {  	[tilespmem:$0x13A0] =	vst v36;
	v36 =	vld [tilespmem:$0x622]  }
0x82: {  	[tilespmem:$0x1FF00] =	vst v60;
	v60 =	vld [tilespmem:$0x690]  }
0x83: {  	[tilespmem:$0x1FFC0] =	vst v0;
	v0 =	vld [tilespmem:$0x890]  }
0x84: {  	[tilespmem:$0x1420] =	vst v30;
	v30 =	vld [tilespmem:$0x622]  }
0x85: {  	v46 =	vld [tilespmem:$0x1FF00]  }
0x86: {  	v39 =	vadd.f32 v58, v57;
	v58 =	vld [tilespmem:$0x1FFC0]  }
0x87: {  	[tilespmem:$0x1190] =	vst v49;
	v49 =	vld [tilespmem:$0x222]  }
0x88: {  	[tilespmem:$0x1390] =	vst v53;
	v53 =	vld [tilespmem:$0x2A2]  }
0x89: {  	[tilespmem:$0x1FF10] =	vst v60;
	v60 =	vld [tilespmem:$0x690]  }
0x8a: {  	[tilespmem:$0x1FF80] =	vst v0;
	v0 =	vld [tilespmem:$0x910]  }
0x8b: {  	v47 =	vld [tilespmem:$0x1FF10]  }
0x8c: {  	v54 =	vld [tilespmem:$0x1FF80]  }
0x8d: {  	[tilespmem:$0x1410] =	vst v58;
	v58 =	vadd.f32 v33, v32;
	v32 =	vld [tilespmem:$0x522]  }
0x8e: {  	[tilespmem:$0x1680] =	vst v51;
	v33 =	vld [tilespmem:$0x5A2]  }
0x8f: {  	[tilespmem:$0x12A0] =	vst v58;
	v58 =	vld [tilespmem:$0x9A2]  }
0x90: {  	[tilespmem:$0x1FF40] =	vst v60;
	v60 =	vld [tilespmem:$0x710]  }
0x91: {  	[tilespmem:$0x1FF90] =	vst v0;
	v0 =	vld [tilespmem:$0x910]  }
0x92: {  	[tilespmem:$0xD90] =	vst v61;
	v37 =	vadd.f32 v56, v55;
	v50 =	vld [tilespmem:$0x1FF40]  }
0x93: {  	[tilespmem:$0x1110] =	vst v22;
	v22 =	vadd.f32 v47, v46;
	v55 =	vld [tilespmem:$0x1FF90];
	v46 =	vadd.f32 v15, v18  }
0x94: {  	[tilespmem:$0xDA0] =	vst v9;
	v47 =	vld [tilespmem:$0x1A2]  }
0x95: {  	[tilespmem:$0xF20] =	vst v46;
	v46 =	vld [tilespmem:$0x822]  }
0x96: {  	[tilespmem:$0x1FF50] =	vst v60;
	v60 =	vld [tilespmem:$0x710]  }
0x97: {  	v13 =	vadd.f32 v13, v12;
	[tilespmem:$0x1FFD0] =	vst v0;
	v0 =	vld [tilespmem:$0x990]  }
0x98: {  	[tilespmem:$0xE90] =	vst v37;
	v51 =	vld [tilespmem:$0x1FF50]  }
0x99: {  	[tilespmem:$0xF10] =	vst v39;
	v14 =	vadd.f32 v14, v13;
	v59 =	vld [tilespmem:$0x1FFD0]  }
0x9a: {  	[tilespmem:$0xFA0] =	vst v17;
	v41 =	vadd.f32 v55, v54;
	v54 =	vld [tilespmem:$0x322]  }
0x9b: {  	[tilespmem:$0xE20] =	vst v14;
	v55 =	vadd.f32 v28, v26;
	v26 =	vld [tilespmem:$0x4A2]  }
0x9c: {  	[tilespmem:$0x11A0] =	vst v29;
	v28 =	vld [tilespmem:$0x522]  }
0x9d: {  	v8 =	vadd.f32 v16, v8;
	[tilespmem:$0x1FF20] =	vst v60;
	v60 =	vld [tilespmem:$0x790]  }
0x9e: {  	[tilespmem:$0x1FFE0] =	vst v0;
	v0 =	vld [tilespmem:$0x990]  }
0x9f: {  	[tilespmem:$0xEA0] =	vst v8;
	v48 =	vld [tilespmem:$0x1FF20]  }
0xa0: {  	[tilespmem:$0xDA2] =	vst v47;
	v47 =	vld [tilespmem:$0x7A2]  }
0xa1: {  	[tilespmem:$0x1210] =	vst v22;
	v39 =	vadd.f32 v51, v50;
	v50 =	vld [tilespmem:$0x2A2]  }
0xa2: {  	[tilespmem:$0x1490] =	vst v41;
	v51 =	vld [tilespmem:$0x422]  }
0xa3: {  	v23 =	vadd.f32 v20, v23;
	[tilespmem:$0x1FFA0] =	vst v0;
	v0 =	vld [tilespmem:$0xA10]  }
0xa4: {  	[tilespmem:$0x1290] =	vst v39;
	v39 =	vld [tilespmem:$0x9A0];
	v37 =	vadd.f32 v60, v48  }
0xa5: {  	[tilespmem:$0x1220] =	vst v55;
	v60 =	vld [tilespmem:$0x1FFE0];
	v48 =	vadd.f32 v24, v23;
	v24 =	vadd.f32 v40, v38  }
0xa6: {  	[tilespmem:$0x13A2] =	vst v47;
	v56 =	vld [tilespmem:$0x1FFA0]  }
0xa7: {  	v22 =	vadd.f32 v52, v37;
	v37 =	vld [tilespmem:$0x920];
	[tilespmem:$0x14A0] =	vst v24  }
0xa8: {  	v8 =	vadd.f32 v19, v48;
	[tilespmem:$0x1FFB0] =	vst v0;
	v0 =	vld [tilespmem:$0xA90]  }
0xa9: {  	v52 =	vadd.f32 v27, v25;
	[tilespmem:$0x1310] =	vst v22;
	v22 =	vld [tilespmem:$0x9A0]  }
0xaa: {  	v38 =	vld [tilespmem:$0x6A2];
	[tilespmem:$0x10A0] =	vst v8;
	v44 =	vadd.f32 v60, v59  }
0xab: {  	[tilespmem:$0x1120] =	vst v52;
	v57 =	vld [tilespmem:$0x1FFB0]  }
0xac: {  	v48 =	vadd.f32 v33, v32;
	v59 =	vld [tilespmem:$0x3A2];
	[tilespmem:$0x1510] =	vst v44  }
0xad: {  	v44 =	vld [tilespmem:$0x1A2];
	v27 =	vadd.f32 v39, v37;
	[tilespmem:$0x1FFF0] =	vst v0;
	v0 =	vadd.f32 v2, v1  }
0xae: {  	[tilespmem:$0x1122] =	vst v48;
	v39 =	vadd.f32 v54, v53;
	v2 =	vld [tilespmem:$0xA10];
	v25 =	vadd.f32 v43, v22  }
0xaf: {  	v1 =	vld [tilespmem:$0xA90];
	[tilespmem:$0x1520] =	vst v27;
	v0 =	vadd.f32 v3, v0  }
0xb0: {  	v37 =	vld [tilespmem:$0x6A2];
	[tilespmem:$0xEA2] =	vst v39;
	v29 =	vadd.f32 v45, v25  }
0xb1: {  	v42 =	vadd.f32 v57, v56;
	v61 =	vld [tilespmem:$0x1FFF0];
	v56 =	vadd.f32 v34, v31;
	[tilespmem:$0xC00] =	vst v0  }
0xb2: {  	v34 =	vld [tilespmem:$0x5A2];
	[tilespmem:$0x15A0] =	vst v29  }
0xb3: {  	v43 =	vld [tilespmem:$0x722];
	v60 =	vadd.f32 v35, v56;
	[tilespmem:$0x1610] =	vst v2  }
0xb4: {  	v3 =	vld [tilespmem:$0x20];
	v0 =	vadd.f32 v7, v6;
	[tilespmem:$0x1690] =	vst v1  }
0xb5: {  	v7 =	vld [tilespmem:$0x420];
	[tilespmem:$0x1320] =	vst v60  }
0xb6: {  	v6 =	vld [tilespmem:$0x120];
	v2 =	vadd.f32 v50, v49;
	[tilespmem:$0xD00] =	vst v0;
	v0 =	vadd.f32 v11, v10  }
0xb7: {  	v49 =	vld [tilespmem:$0x822];
	v41 =	vadd.f32 v61, v42;
	[tilespmem:$0x11A2] =	vst v34  }
0xb8: {  	v45 =	vld [tilespmem:$0x7A2];
	v2 =	vadd.f32 v51, v2;
	[tilespmem:$0xE00] =	vst v0  }
0xb9: {  	v53 =	vld [tilespmem:$0x922];
	v3 =	vadd.f32 v5, v3;
	v51 =	vadd.f32 v37, v36;
	[tilespmem:$0x1590] =	vst v41  }
0xba: {  	v42 =	vld [tilespmem:$0xA20];
	[tilespmem:$0xE22] =	vst v2  }
0xbb: {  	v61 =	vld [tilespmem:$0x3A2];
	v62 =	vadd.f32 v7, v3;
	[tilespmem:$0x1222] =	vst v51  }
0xbc: {  	v57 =	vld [tilespmem:$0x322];
	v63 =	vadd.f32 v6, v4;
	[tilespmem:$0x1422] =	vst v49  }
0xbd: {  	v5 =	vld [tilespmem:$0xAA0];
	v52 =	vadd.f32 v45, v43;
	[tilespmem:$0xC20] =	vst v62  }
0xbe: {  	v31 =	vld [tilespmem:$0x8A2];
	[tilespmem:$0xCA0] =	vst v63  }
0xbf: {  	v56 =	vld [tilespmem:$0x9A2];
	v55 =	vadd.f32 v46, v52;
	[tilespmem:$0x1620] =	vst v42  }
0xc0: {  	v1 =	vld [tilespmem:$0x122];
	[tilespmem:$0xFA2] =	vst v61  }
0xc1: {  	v10 =	vld [tilespmem:$0x120];
	[tilespmem:$0x1322] =	vst v55  }
0xc2: {  	v11 =	vld [tilespmem:$0x1A0];
	v61 =	vimm.f32 $0.0e+00;
	[tilespmem:$0x16A0] =	vst v5  }
0xc3: {  	v50 =	vld [tilespmem:$0x8A2];
	[tilespmem:$0x1700] =	vst v61  }
0xc4: {  	v0 =	vld [tilespmem:$0x420];
	[tilespmem:$0x1780] =	vst v61  }
0xc5: {  	v41 =	vld [tilespmem:$0x22];
	[tilespmem:$0x1710] =	vst v61  }
0xc6: {  	v3 =	vld [tilespmem:$0xA2];
	[tilespmem:$0x1790] =	vst v61  }
0xc7: {  	v4 =	vld [tilespmem:$0x422];
	v11 =	vadd.f32 v11, v10;
	[tilespmem:$0x1720] =	vst v61  }
0xc8: {  	v7 =	vld [tilespmem:$0xA2];
	v42 =	vadd.f32 v59, v57;
	[tilespmem:$0x17A0] =	vst v61  }
0xc9: {  	v6 =	vld [tilespmem:$0x122];
	v59 =	vadd.f32 v53, v50;
	[tilespmem:$0xD20] =	vst v11  }
0xca: {  	v62 =	vld [tilespmem:$0x422];
	[tilespmem:$0xF22] =	vst v42  }
0xcb: {  	v63 =	vld [tilespmem:$0x4A2];
	[tilespmem:$0x14A2] =	vst v59  }
0xcc: {  	v40 =	vadd.f32 v28, v26;
	v57 =	vld [tilespmem:$0xA22];
	v0 =	vadd.f32 v21, v0;
	[tilespmem:$0x1722] =	vst v61  }
0xcd: {  	v54 =	vld [tilespmem:$0x922];
	[tilespmem:$0x17A2] =	vst v61;
	v3 =	vadd.f32 v3, v41;
	v1 =	vadd.f32 v1, v7  }
0xce: {  	v60 =	vld [tilespmem:$0xAA2];
	v35 =	vadd.f32 v44, v6;
	[tilespmem:$0x1020] =	vst v0  }
0xcf: {  	v41 =	vld [tilespmem:$0x722];
	v44 =	vadd.f32 v30, v40;
	v3 =	vadd.f32 v4, v3;
	[tilespmem:$0xCA2] =	vst v1  }
0xd0: {  	[tilespmem:$0xD22] =	vst v35;
	v0 =	vadd.f32 v63, v62  }
0xd1: {  	v7 =	vadd.f32 v31, v44;
	v1 =	vadd.f32 v57, v56;
	[tilespmem:$0xC22] =	vst v3  }
0xd2: {  	v62 =	vld [tilespmem:$0xA22];
	[tilespmem:$0x1022] =	vst v0;
	v0 =	vadd.f32 v58, v54  }
0xd3: {  	v63 =	vld [tilespmem:$0xAA2];
	[tilespmem:$0x10A2] =	vst v7;
	v1 =	vadd.f32 v60, v1  }
0xd4: {  	v3 =	vadd.f32 v41, v38;
	[tilespmem:$0x1522] =	vst v0  }
0xd5: {  	[tilespmem:$0x15A2] =	vst v1  }
0xd6: {  	[tilespmem:$0x12A2] =	vst v3  }
0xd7: {  	p0 =	sne.s32 s4, $0x1;
	[tilespmem:$0x1622] =	vst v62  }
.Ltmp1:
0xd8: {  	[tilespmem:$0x16A2] =	vst v63;
	(pc) =	sbr.rel @p0 .LBB2_2-.Ltmp1, $4  }
0xd9: {  	[hbm4b:s3+s5] =	stream.linear.scatter [tilespmem:s7], [sflag:$0x1], $0xC00, $0x38;
	[tilespmem:$0x1800] =	vst v63  }
0xda: {  	_ =	swait.ge [sflag:s6], $0xC00  }
0xdb: {  	[sflag:s6] =	ssyncset.done $0x0  }
0xdc: {  	s4 =	sadd.s32 $0xFFFFFFFF, s4;
	[sflag:s6] =	ssyncadd.s32 $0xFFFFF400  }
.LBB2_3:
0xdd: {  	_ =	sfence.sel $0x180000  }
0xde: {  	[bflag:$0x0] =	sbarrier.arrive $0xFFFF  }
0xdf: {  	p0 =	sne.s32 s0, $0x0;
	_ =	strace $0x90000047  }
0xe0: {  	s0 =	sadd.s32 @!p0 $0x100000, s1;
	[bflag:$0x2] =	sbarrier.arrive $0xFFFF  }
0xe1: {  	[sflag:s0] =	ssyncadd.tile.s32 @!p0 $0x1;
	_ =	shalt  }
.Lfunc_end2:
_tile_overlayer_lowered:
.L_overlay_start_2:
0xe2: {  	(tag) =	ssettag $0x2  }
0xe3: {  	s0 =	rddreg [dreg:$0x0];
	s2 =	stileid.u32  }
0xe4: {  	s1 =	rddreg [dreg:$0x1];
	p0 =	sne.s32 s2, $0x0  }
0xe5: {  	s3 =	rddreg [dreg:$0x2];
	[bflag:$0x3] =	sbarrier.arrive $0xFFFF;
	s2 =	simm.s32 @!p0 $0x1C01  }
0xe6: {  	[timem:s3], [sflag:s2] =	dma.local @!p0 [hbm:s0], s1  }
0xe7: {  	s0 =	simm.s32 @!p0 $0x1  }
0xe8: {  	_ =	swait.ge @!p0 [sflag:s0], s1  }
0xe9: {  	s1 =	ssub.s32 @!p0 $0x0, s1;
	[sflag:s0] =	ssyncset.done @!p0 $0x0  }
0xea: {  	[sflag:s0] =	ssyncadd.s32 @!p0 s1  }
0xeb: {  	[bflag:$0x3] =	sbarrier.arrive $0xFFFF  }
0xec: {  	_ =	shalt  }

</sc_bundles>
